<compile_context>
chip_gen: v7x
topology: tpu7x:2x2x1
jax: 0.10.2.dev20260603
libtpu: 0.0.44.dev20260713+nightly
codegen_flags: <defaults>
</compile_context>

<pallas_src>
import functools

import jax
import jax.numpy as jnp
from jax import lax
from jax.experimental import pallas as pl
from jax.experimental.pallas import tpu as pltpu
from jax.experimental.pallas import tpu_sc as plsc

S = 1024
RS = 1025
LAM = 1.0

NW = 32
E = 6_400_000
EW = E // NW
ECH = 10000
NCH = EW // ECH
EG = ECH // 16
EU = 16

N = 100_000
XBR = 51200
XNP = 102_400
NGT = N // 16
NGB = NGT // NW
NXT = NGT - NGB * NW
NWN = (NGB + 1) * 16


def _sc_body(me_hbm, pq_hbm, tq_hbm, mn_hbm, sqx_hbm,
             outq_hbm, outx_hbm, outc_hbm,
             accq, accx, accc,
             pqb0, tqb0, meb0, pqb1, tqb1, meb1,
             sqxb, mnb, obq, obx, obc,
             sem0, sem1, semn):
    wid = lax.axis_index("s") * 2 + lax.axis_index("c")
    iota = lax.broadcasted_iota(jnp.int32, (16,), 0)
    rb = iota * RS
    zeros = jnp.zeros((16,), jnp.float32)
    ones = jnp.ones((16,), jnp.float32)

    ebufs0 = (pqb0, tqb0, meb0)
    ebufs1 = (pqb1, tqb1, meb1)
    ehbm = (pq_hbm, tq_hbm, me_hbm)

    def issue(c, bufs, sem):
        base = wid * EW + c * ECH
        for h, b in zip(ehbm, bufs):
            pltpu.async_copy(h.at[pl.ds(base, ECH)], b, sem)

    def wait_slot(bufs, sem):
        for h, b in zip(ehbm, bufs):
            pltpu.make_async_copy(h.at[pl.ds(0, ECH)], b, sem).wait()

    issue(0, ebufs0, sem0)
    issue(1, ebufs1, sem1)
    g0 = NGB * wid + jnp.minimum(wid, NXT)
    nb = g0 * 16
    pltpu.async_copy(mn_hbm.at[pl.ds(nb, NGB * 16)],
                     mnb.at[pl.ds(0, NGB * 16)], semn)
    pltpu.async_copy(sqx_hbm.at[pl.ds(nb, NGB * 16)],
                     sqxb.at[pl.ds(0, NGB * 16)], semn)

    @plsc.parallel_loop(0, RS, unroll=8)
    def zacc(i):
        o = i * 16
        accq[pl.ds(o, 16)] = zeros
        accx[pl.ds(o, 16)] = zeros
        accc[pl.ds(o, 16)] = zeros

    @pl.when(wid < NXT)
    def _():
        pltpu.sync_copy(mn_hbm.at[pl.ds(nb + NGB * 16, 16)],
                        mnb.at[pl.ds(NGB * 16, 16)])
        pltpu.sync_copy(sqx_hbm.at[pl.ds(nb + NGB * 16, 16)],
                        sqxb.at[pl.ds(NGB * 16, 16)])
    pltpu.make_async_copy(mn_hbm.at[pl.ds(0, NGB * 16)],
                          mnb.at[pl.ds(0, NGB * 16)], semn).wait()
    pltpu.make_async_copy(sqx_hbm.at[pl.ds(0, NGB * 16)],
                          sqxb.at[pl.ds(0, NGB * 16)], semn).wait()

    def ngrp(g):
        sl = pl.ds(g * 16, 16)
        ids = mnb[sl]
        plsc.addupdate_scatter(accc, [rb + ids], ones)
        plsc.addupdate_scatter(accx, [rb + ids], sqxb[sl])

    @plsc.parallel_loop(0, NGB, unroll=8)
    def ngrp_loop(g):
        ngrp(g)

    @pl.when(wid < NXT)
    def _():
        ngrp(NGB)

    def compute(bufs):
        pqb, tqb, meb = bufs

        @plsc.parallel_loop(0, EG, unroll=EU)
        def grp(g):
            sl = pl.ds(g * 16, 16)
            d = pqb[sl] - tqb[sl]
            plsc.addupdate_scatter(accq, [rb + meb[sl]], d * d)

    def pipe(k, carry):
        c0 = 2 * k
        wait_slot(ebufs0, sem0)
        compute(ebufs0)

        @pl.when(c0 + 2 < NCH)
        def _():
            issue(c0 + 2, ebufs0, sem0)
        wait_slot(ebufs1, sem1)
        compute(ebufs1)

        @pl.when(c0 + 3 < NCH)
        def _():
            issue(c0 + 3, ebufs1, sem1)
        return carry
    lax.fori_loop(0, NCH // 2, pipe, 0)

    @plsc.parallel_loop(0, S // 16, unroll=2)
    def fold(c):
        sq = zeros
        sx = zeros
        sc = zeros
        for l in range(16):
            sq = sq + accq[pl.ds(l * RS + c * 16, 16)]
            sx = sx + accx[pl.ds(l * RS + c * 16, 16)]
            sc = sc + accc[pl.ds(l * RS + c * 16, 16)]
        obq[pl.ds(c * 16, 16)] = sq
        obx[pl.ds(c * 16, 16)] = sx
        obc[pl.ds(c * 16, 16)] = sc

    pltpu.sync_copy(obq, outq_hbm.at[wid])
    pltpu.sync_copy(obx, outx_hbm.at[wid])
    pltpu.sync_copy(obc, outc_hbm.at[wid])


@functools.cache
def _sc_call_builder():
    return functools.partial(
            pl.kernel,
        out_type=(
            jax.ShapeDtypeStruct((NW, S), jnp.float32),
            jax.ShapeDtypeStruct((NW, S), jnp.float32),
            jax.ShapeDtypeStruct((NW, S), jnp.float32),
        ),
        mesh=plsc.VectorSubcoreMesh(core_axis_name="c", subcore_axis_name="s"),
        compiler_params=pltpu.CompilerParams(needs_layout_passes=False),
        scratch_types=[
            pltpu.VMEM((16 * RS,), jnp.float32),
            pltpu.VMEM((16 * RS,), jnp.float32),
            pltpu.VMEM((16 * RS,), jnp.float32),
            pltpu.VMEM((ECH,), jnp.float32),
            pltpu.VMEM((ECH,), jnp.float32),
            pltpu.VMEM((ECH,), jnp.int32),
            pltpu.VMEM((ECH,), jnp.float32),
            pltpu.VMEM((ECH,), jnp.float32),
            pltpu.VMEM((ECH,), jnp.int32),
            pltpu.VMEM((NWN,), jnp.float32),
            pltpu.VMEM((NWN,), jnp.int32),
            pltpu.VMEM((S,), jnp.float32),
            pltpu.VMEM((S,), jnp.float32),
            pltpu.VMEM((S,), jnp.float32),
            pltpu.SemaphoreType.DMA,
            pltpu.SemaphoreType.DMA,
            pltpu.SemaphoreType.DMA,
        ],
    )(_sc_body)


def _sqx_body(p_ref, t_ref, o_ref):
    d = p_ref[...] - t_ref[...]
    o_ref[...] = jnp.sum(d * d, axis=0)


def _epi_body(q_ref, x_ref, c_ref, o_ref):
    sq = jnp.sum(q_ref[...], axis=0)
    sx = jnp.sum(x_ref[...], axis=0)
    cnt = jnp.sum(c_ref[...], axis=0)
    norm = jnp.sqrt(sq)
    rmsd = jnp.sqrt(sx / jnp.clip(cnt, 1.0))
    val = (jnp.sum(norm) + LAM * jnp.sum(rmsd)) / S
    o_ref[...] = jnp.full((1, 1), val, jnp.float32)


def kernel(pred_x, pred_q, true_x, true_q, merge_edge, merge_node):
    sqx = pl.pallas_call(
        _sqx_body,
        grid=(XNP // XBR,),
        in_specs=[
            pl.BlockSpec((3, XBR), lambda i: (0, i)),
            pl.BlockSpec((3, XBR), lambda i: (0, i)),
        ],
        out_specs=pl.BlockSpec((XBR,), lambda i: (i,)),
        out_shape=jax.ShapeDtypeStruct((XNP,), jnp.float32),
    )(pred_x.T, true_x.T)

    outq, outx, outc = _sc_call_builder()(merge_edge, pred_q, true_q, merge_node, sqx)

    loss = pl.pallas_call(
        _epi_body,
        out_shape=jax.ShapeDtypeStruct((1, 1), jnp.float32),
    )(outq, outx, outc)
    return loss[0, 0]

# --- scband reference (transcript-rebuilt; emitter-appended) ---
"""Pipeline reference for scband-loss-function-45157286150869 (READ-ONLY COPY).

The authoritative reference and input builder live on the scoring server;
editing this copy changes nothing except your own understanding.
"""

import jax, jax.numpy as jnp
import numpy as np

N_NODES = 100000
N_EDGES = 6400000
NUM_SEG = 1024
LAM = 1.0


def setup_inputs(seed: int = 0) -> dict:
    key = jax.random.key(seed)
    k1, k2, k3, k4, k5, k6 = jax.random.split(key, 6)
    pred_x = jax.random.normal(k1, (N_NODES, 3), dtype=jnp.float32)
    true_x = jax.random.normal(k2, (N_NODES, 3), dtype=jnp.float32)
    pred_q = jax.random.normal(k3, (N_EDGES,), dtype=jnp.float32)
    true_q = jax.random.normal(k4, (N_EDGES,), dtype=jnp.float32)
    merge_edge = jnp.sort(jax.random.randint(k5, (N_EDGES,), 0, NUM_SEG, dtype=jnp.int32)).astype(jnp.int64)
    merge_node = jnp.sort(jax.random.randint(k6, (N_NODES,), 0, NUM_SEG, dtype=jnp.int32)).astype(jnp.int64)
    return {
        "pred_x": pred_x,
        "pred_q": pred_q,
        "true_x": true_x,
        "true_q": true_q,
        "merge_edge": merge_edge,
        "merge_node": merge_node,
    }


def reference(pred_x, pred_q, true_x, true_q, merge_edge, merge_node):
    # MetricRMSD: per-node squared error summed over coord dim, scatter_mean over graphs, sqrt, mean over graphs
    sq_x = jnp.sum((pred_x - true_x) ** 2, axis=-1)  # (n,)
    seg_sum_x = jax.ops.segment_sum(sq_x, merge_node, num_segments=NUM_SEG)
    counts = jax.ops.segment_sum(jnp.ones_like(sq_x), merge_node, num_segments=NUM_SEG)
    seg_mean_x = seg_sum_x / jnp.clip(counts, 1.0)
    rmsd = jnp.sqrt(seg_mean_x)
    loss_x = jnp.sum(rmsd) / NUM_SEG

    # MetricNorm: per-edge squared error, scatter_sum over graphs, sqrt, mean over graphs
    sq_q = (pred_q - true_q) ** 2  # (E,)
    seg_sum_q = jax.ops.segment_sum(sq_q, merge_edge, num_segments=NUM_SEG)
    norm = jnp.sqrt(seg_sum_q)
    loss_q = jnp.sum(norm) / NUM_SEG

    return loss_q + LAM * loss_x

if __name__ == "__main__":
    import jax
    _d = setup_inputs()
    print(jax.jit(kernel)(*tuple(_d.values())))

</pallas_src>

<mosaic_0001>
#map = affine_map<(d0, d1) -> (0)>
#map1 = affine_map<(d0, d1) -> (0, 0)>
module attributes {stable_mosaic.version = 14 : i64} {
  func.func @_sc_body(%arg0: i32, %arg1: i32, %arg2: memref<6400000xi32, #tpu.memory_space<hbm>>, %arg3: memref<6400000xf32, #tpu.memory_space<hbm>>, %arg4: memref<6400000xf32, #tpu.memory_space<hbm>>, %arg5: memref<100000xi32, #tpu.memory_space<hbm>>, %arg6: memref<102400xf32, #tpu.memory_space<hbm>>, %arg7: memref<32x1024xf32, #tpu.memory_space<hbm>>, %arg8: memref<32x1024xf32, #tpu.memory_space<hbm>>, %arg9: memref<32x1024xf32, #tpu.memory_space<hbm>>, %arg10: memref<16400xf32, #tpu.memory_space<vmem>>, %arg11: memref<16400xf32, #tpu.memory_space<vmem>>, %arg12: memref<16400xf32, #tpu.memory_space<vmem>>, %arg13: memref<10000xf32, #tpu.memory_space<vmem>>, %arg14: memref<10000xf32, #tpu.memory_space<vmem>>, %arg15: memref<10000xi32, #tpu.memory_space<vmem>>, %arg16: memref<10000xf32, #tpu.memory_space<vmem>>, %arg17: memref<10000xf32, #tpu.memory_space<vmem>>, %arg18: memref<10000xi32, #tpu.memory_space<vmem>>, %arg19: memref<3136xf32, #tpu.memory_space<vmem>>, %arg20: memref<3136xi32, #tpu.memory_space<vmem>>, %arg21: memref<1024xf32, #tpu.memory_space<vmem>>, %arg22: memref<1024xf32, #tpu.memory_space<vmem>>, %arg23: memref<1024xf32, #tpu.memory_space<vmem>>, %arg24: memref<!tpu.dma_semaphore, #tpu.memory_space<semaphore_mem>>, %arg25: memref<!tpu.dma_semaphore, #tpu.memory_space<semaphore_mem>>, %arg26: memref<!tpu.dma_semaphore, #tpu.memory_space<semaphore_mem>>) attributes {dimension_semantics = [#tpu.dimension_semantics<core_parallel>, #tpu.dimension_semantics<subcore_parallel>], iteration_bounds = array<i64: 2, 16>, scalar_prefetch = 0 : i64, scratch_operands = 17 : i64, tpu.core_type = #tpu.core_type<sc_vector_subcore>, window_params = [{transform_indices = #map}, {transform_indices = #map}, {transform_indices = #map}, {transform_indices = #map}, {transform_indices = #map}, {transform_indices = #map1}, {transform_indices = #map1}, {transform_indices = #map1}]} {
    %mul3A = arith.constant 2 : i32
    %mul3A_0 = arith.muli %arg1, %mul3A : i32
    %add3A = arith.addi %mul3A_0, %arg0 : i32
    %iota3A = tpu.iota {dimensions = array<i32: 0>} : vector<16xi32>
    %mul3A_1 = arith.constant 1025 : i32
    %mul3A_2 = vector.broadcast %mul3A_1 : i32 to vector<16xi32>
    %mul3A_3 = arith.muli %iota3A, %mul3A_2 : vector<16xi32>
    %broadcast_in_dim3A = arith.constant 0.000000e+00 : f32
    %broadcast_in_dim3A_4 = vector.broadcast %broadcast_in_dim3A : f32 to vector<16xf32>
    %broadcast_in_dim3A_5 = arith.constant 1.000000e+00 : f32
    %broadcast_in_dim3A_6 = vector.broadcast %broadcast_in_dim3A_5 : f32 to vector<16xf32>
    %mul3A_7 = arith.constant 200000 : i32
    %mul3A_8 = arith.muli %add3A, %mul3A_7 : i32
    %add3A_9 = arith.constant 0 : i32
    %add3A_10 = arith.addi %mul3A_8, %add3A_9 : i32
    %dma_start3A = tpu.memref_slice %arg3[%add3A_10] : memref<6400000xf32, #tpu.memory_space<hbm>> -> memref<10000xf32, #tpu.memory_space<hbm>>
    %dma_start3A_11 = tpu.memref_slice %arg3[%add3A_10] : memref<6400000xf32, #tpu.memory_space<hbm>> -> memref<10000xf32, #tpu.memory_space<hbm>>
    tpu.enqueue_dma source(%dma_start3A_11 : memref<10000xf32, #tpu.memory_space<hbm>>) target(%arg13 : memref<10000xf32, #tpu.memory_space<vmem>>) target_semaphore(%arg24 : memref<!tpu.dma_semaphore, #tpu.memory_space<semaphore_mem>>)
    %dma_start3A_12 = tpu.memref_slice %arg4[%add3A_10] : memref<6400000xf32, #tpu.memory_space<hbm>> -> memref<10000xf32, #tpu.memory_space<hbm>>
    %dma_start3A_13 = tpu.memref_slice %arg4[%add3A_10] : memref<6400000xf32, #tpu.memory_space<hbm>> -> memref<10000xf32, #tpu.memory_space<hbm>>
    tpu.enqueue_dma source(%dma_start3A_13 : memref<10000xf32, #tpu.memory_space<hbm>>) target(%arg14 : memref<10000xf32, #tpu.memory_space<vmem>>) target_semaphore(%arg24 : memref<!tpu.dma_semaphore, #tpu.memory_space<semaphore_mem>>)
    %dma_start3A_14 = tpu.memref_slice %arg2[%add3A_10] : memref<6400000xi32, #tpu.memory_space<hbm>> -> memref<10000xi32, #tpu.memory_space<hbm>>
    %dma_start3A_15 = tpu.memref_slice %arg2[%add3A_10] : memref<6400000xi32, #tpu.memory_space<hbm>> -> memref<10000xi32, #tpu.memory_space<hbm>>
    tpu.enqueue_dma source(%dma_start3A_15 : memref<10000xi32, #tpu.memory_space<hbm>>) target(%arg15 : memref<10000xi32, #tpu.memory_space<vmem>>) target_semaphore(%arg24 : memref<!tpu.dma_semaphore, #tpu.memory_space<semaphore_mem>>)
    %mul3A_16 = arith.constant 200000 : i32
    %mul3A_17 = arith.muli %add3A, %mul3A_16 : i32
    %add3A_18 = arith.constant 10000 : i32
    %add3A_19 = arith.addi %mul3A_17, %add3A_18 : i32
    %dma_start3A_20 = tpu.memref_slice %arg3[%add3A_19] : memref<6400000xf32, #tpu.memory_space<hbm>> -> memref<10000xf32, #tpu.memory_space<hbm>>
    %dma_start3A_21 = tpu.memref_slice %arg3[%add3A_19] : memref<6400000xf32, #tpu.memory_space<hbm>> -> memref<10000xf32, #tpu.memory_space<hbm>>
    tpu.enqueue_dma source(%dma_start3A_21 : memref<10000xf32, #tpu.memory_space<hbm>>) target(%arg16 : memref<10000xf32, #tpu.memory_space<vmem>>) target_semaphore(%arg25 : memref<!tpu.dma_semaphore, #tpu.memory_space<semaphore_mem>>)
    %dma_start3A_22 = tpu.memref_slice %arg4[%add3A_19] : memref<6400000xf32, #tpu.memory_space<hbm>> -> memref<10000xf32, #tpu.memory_space<hbm>>
    %dma_start3A_23 = tpu.memref_slice %arg4[%add3A_19] : memref<6400000xf32, #tpu.memory_space<hbm>> -> memref<10000xf32, #tpu.memory_space<hbm>>
    tpu.enqueue_dma source(%dma_start3A_23 : memref<10000xf32, #tpu.memory_space<hbm>>) target(%arg17 : memref<10000xf32, #tpu.memory_space<vmem>>) target_semaphore(%arg25 : memref<!tpu.dma_semaphore, #tpu.memory_space<semaphore_mem>>)
    %dma_start3A_24 = tpu.memref_slice %arg2[%add3A_19] : memref<6400000xi32, #tpu.memory_space<hbm>> -> memref<10000xi32, #tpu.memory_space<hbm>>
    %dma_start3A_25 = tpu.memref_slice %arg2[%add3A_19] : memref<6400000xi32, #tpu.memory_space<hbm>> -> memref<10000xi32, #tpu.memory_space<hbm>>
    tpu.enqueue_dma source(%dma_start3A_25 : memref<10000xi32, #tpu.memory_space<hbm>>) target(%arg18 : memref<10000xi32, #tpu.memory_space<vmem>>) target_semaphore(%arg25 : memref<!tpu.dma_semaphore, #tpu.memory_space<semaphore_mem>>)
    %mul3A_26 = arith.constant 195 : i32
    %mul3A_27 = arith.muli %mul3A_26, %add3A : i32
    %min3A = arith.constant 10 : i32
    %min3A_28 = arith.minsi %add3A, %min3A : i32
    %add3A_29 = arith.addi %mul3A_27, %min3A_28 : i32
    %mul3A_30 = arith.constant 16 : i32
    %mul3A_31 = arith.muli %add3A_29, %mul3A_30 : i32
    %dma_start3A_32 = arith.constant 0 : i32
    %dma_start3A_33 = tpu.memref_slice %arg20[%dma_start3A_32] : memref<3136xi32, #tpu.memory_space<vmem>> -> memref<3120xi32, #tpu.memory_space<vmem>>
    %dma_start3A_34 = tpu.memref_slice %arg5[%mul3A_31] : memref<100000xi32, #tpu.memory_space<hbm>> -> memref<3120xi32, #tpu.memory_space<hbm>>
    %dma_start3A_35 = arith.constant 0 : i32
    %dma_start3A_36 = tpu.memref_slice %arg20[%dma_start3A_35] : memref<3136xi32, #tpu.memory_space<vmem>> -> memref<3120xi32, #tpu.memory_space<vmem>>
    %dma_start3A_37 = tpu.memref_slice %arg5[%mul3A_31] : memref<100000xi32, #tpu.memory_space<hbm>> -> memref<3120xi32, #tpu.memory_space<hbm>>
    tpu.enqueue_dma source(%dma_start3A_37 : memref<3120xi32, #tpu.memory_space<hbm>>) target(%dma_start3A_36 : memref<3120xi32, #tpu.memory_space<vmem>>) target_semaphore(%arg26 : memref<!tpu.dma_semaphore, #tpu.memory_space<semaphore_mem>>)
    %dma_start3A_38 = arith.constant 0 : i32
    %dma_start3A_39 = tpu.memref_slice %arg19[%dma_start3A_38] : memref<3136xf32, #tpu.memory_space<vmem>> -> memref<3120xf32, #tpu.memory_space<vmem>>
    %dma_start3A_40 = tpu.memref_slice %arg6[%mul3A_31] : memref<102400xf32, #tpu.memory_space<hbm>> -> memref<3120xf32, #tpu.memory_space<hbm>>
    %dma_start3A_41 = arith.constant 0 : i32
    %dma_start3A_42 = tpu.memref_slice %arg19[%dma_start3A_41] : memref<3136xf32, #tpu.memory_space<vmem>> -> memref<3120xf32, #tpu.memory_space<vmem>>
    %dma_start3A_43 = tpu.memref_slice %arg6[%mul3A_31] : memref<102400xf32, #tpu.memory_space<hbm>> -> memref<3120xf32, #tpu.memory_space<hbm>>
    tpu.enqueue_dma source(%dma_start3A_43 : memref<3120xf32, #tpu.memory_space<hbm>>) target(%dma_start3A_42 : memref<3120xf32, #tpu.memory_space<vmem>>) target_semaphore(%arg26 : memref<!tpu.dma_semaphore, #tpu.memory_space<semaphore_mem>>)
    %parallel_loop3A = arith.constant 0 : i32
    %parallel_loop3A_44 = arith.constant 1025 : i32
    %parallel_loop3A_45 = arith.constant 1 : i32
    scf.for %parallel_loop3A_79 = %parallel_loop3A to %parallel_loop3A_44 step %parallel_loop3A_45  : i32 {
      %parallel_loop3A_80 = arith.constant 16 : i32
      %parallel_loop3A_81 = arith.muli %parallel_loop3A_79, %parallel_loop3A_80 : i32
      %parallel_loop3A_82 = arith.index_cast %parallel_loop3A_81 : i32 to index
      %parallel_loop3A_83 = tpu.vector_load %arg10[%parallel_loop3A_82] {strides = array<i32>} : memref<16400xf32, #tpu.memory_space<vmem>>, vector<16xf32>,
      tpu.vector_store %arg10[%parallel_loop3A_82], %broadcast_in_dim3A_4 {strides = array<i32>} : memref<16400xf32, #tpu.memory_space<vmem>>, vector<16xf32>,
      %parallel_loop3A_84 = arith.index_cast %parallel_loop3A_81 : i32 to index
      %parallel_loop3A_85 = tpu.vector_load %arg11[%parallel_loop3A_84] {strides = array<i32>} : memref<16400xf32, #tpu.memory_space<vmem>>, vector<16xf32>,
      tpu.vector_store %arg11[%parallel_loop3A_84], %broadcast_in_dim3A_4 {strides = array<i32>} : memref<16400xf32, #tpu.memory_space<vmem>>, vector<16xf32>,
      %parallel_loop3A_86 = arith.index_cast %parallel_loop3A_81 : i32 to index
      %parallel_loop3A_87 = tpu.vector_load %arg12[%parallel_loop3A_86] {strides = array<i32>} : memref<16400xf32, #tpu.memory_space<vmem>>, vector<16xf32>,
      tpu.vector_store %arg12[%parallel_loop3A_86], %broadcast_in_dim3A_4 {strides = array<i32>} : memref<16400xf32, #tpu.memory_space<vmem>>, vector<16xf32>,
    } {sc.loop_unroll_factor = 8 : i64, sc.parallel_access}
    %lt3A = arith.constant 10 : i32
    %lt3A_46 = arith.cmpi slt, %add3A, %lt3A : i32
    %convert_element_type3A = arith.extui %lt3A_46 : i1 to i32
    %cond3A = arith.constant 0 : i32
    %cond3A_47 = arith.cmpi ne, %convert_element_type3A, %cond3A : i32
    scf.if %cond3A_47 {
      %add3A_79 = arith.constant 3120 : i32
      %add3A_80 = arith.addi %mul3A_31, %add3A_79 : i32
      "tpu.region"() ({
        %run_scoped3A = tpu.sem_alloc : memref<!tpu.dma_semaphore, #tpu.memory_space<semaphore_mem>>
        %dma_start3A_83 = arith.constant 3120 : i32
        %dma_start3A_84 = tpu.memref_slice %arg20[%dma_start3A_83] : memref<3136xi32, #tpu.memory_space<vmem>> -> memref<16xi32, #tpu.memory_space<vmem>>
        %dma_start3A_85 = tpu.memref_slice %arg5[%add3A_80] : memref<100000xi32, #tpu.memory_space<hbm>> -> memref<16xi32, #tpu.memory_space<hbm>>
        %dma_start3A_86 = arith.constant 3120 : i32
        %dma_start3A_87 = tpu.memref_slice %arg20[%dma_start3A_86] : memref<3136xi32, #tpu.memory_space<vmem>> -> memref<16xi32, #tpu.memory_space<vmem>>
        %dma_start3A_88 = tpu.memref_slice %arg5[%add3A_80] : memref<100000xi32, #tpu.memory_space<hbm>> -> memref<16xi32, #tpu.memory_space<hbm>>
        tpu.enqueue_dma source(%dma_start3A_88 : memref<16xi32, #tpu.memory_space<hbm>>) target(%dma_start3A_87 : memref<16xi32, #tpu.memory_space<vmem>>) target_semaphore(%run_scoped3A : memref<!tpu.dma_semaphore, #tpu.memory_space<semaphore_mem>>)
        %dma_wait3A_89 = arith.constant 3120 : i32
        %dma_wait3A_90 = tpu.memref_slice %arg20[%dma_wait3A_89] : memref<3136xi32, #tpu.memory_space<vmem>> -> memref<16xi32, #tpu.memory_space<vmem>>
        %dma_wait3A_91 = tpu.memref_slice %arg5[%add3A_80] : memref<100000xi32, #tpu.memory_space<hbm>> -> memref<16xi32, #tpu.memory_space<hbm>>
        %dma_wait3A_92 = arith.constant 3120 : i32
        %dma_wait3A_93 = tpu.memref_slice %arg20[%dma_wait3A_92] : memref<3136xi32, #tpu.memory_space<vmem>> -> memref<16xi32, #tpu.memory_space<vmem>>
        %dma_wait3A_94 = tpu.memref_slice %arg5[%add3A_80] : memref<100000xi32, #tpu.memory_space<hbm>> -> memref<16xi32, #tpu.memory_space<hbm>>
        tpu.wait_dma2 semaphore(%run_scoped3A : memref<!tpu.dma_semaphore, #tpu.memory_space<semaphore_mem>>) src(%dma_wait3A_94 : memref<16xi32, #tpu.memory_space<hbm>>) dst(%dma_wait3A_93 : memref<16xi32, #tpu.memory_space<vmem>>)
        tpu.yield
      }) : () -> ()
      %add3A_81 = arith.constant 3120 : i32
      %add3A_82 = arith.addi %mul3A_31, %add3A_81 : i32
      "tpu.region"() ({
        %run_scoped3A = tpu.sem_alloc : memref<!tpu.dma_semaphore, #tpu.memory_space<semaphore_mem>>
        %dma_start3A_83 = arith.constant 3120 : i32
        %dma_start3A_84 = tpu.memref_slice %arg19[%dma_start3A_83] : memref<3136xf32, #tpu.memory_space<vmem>> -> memref<16xf32, #tpu.memory_space<vmem>>
        %dma_start3A_85 = tpu.memref_slice %arg6[%add3A_82] : memref<102400xf32, #tpu.memory_space<hbm>> -> memref<16xf32, #tpu.memory_space<hbm>>
        %dma_start3A_86 = arith.constant 3120 : i32
        %dma_start3A_87 = tpu.memref_slice %arg19[%dma_start3A_86] : memref<3136xf32, #tpu.memory_space<vmem>> -> memref<16xf32, #tpu.memory_space<vmem>>
        %dma_start3A_88 = tpu.memref_slice %arg6[%add3A_82] : memref<102400xf32, #tpu.memory_space<hbm>> -> memref<16xf32, #tpu.memory_space<hbm>>
        tpu.enqueue_dma source(%dma_start3A_88 : memref<16xf32, #tpu.memory_space<hbm>>) target(%dma_start3A_87 : memref<16xf32, #tpu.memory_space<vmem>>) target_semaphore(%run_scoped3A : memref<!tpu.dma_semaphore, #tpu.memory_space<semaphore_mem>>)
        %dma_wait3A_89 = arith.constant 3120 : i32
        %dma_wait3A_90 = tpu.memref_slice %arg19[%dma_wait3A_89] : memref<3136xf32, #tpu.memory_space<vmem>> -> memref<16xf32, #tpu.memory_space<vmem>>
        %dma_wait3A_91 = tpu.memref_slice %arg6[%add3A_82] : memref<102400xf32, #tpu.memory_space<hbm>> -> memref<16xf32, #tpu.memory_space<hbm>>
        %dma_wait3A_92 = arith.constant 3120 : i32
        %dma_wait3A_93 = tpu.memref_slice %arg19[%dma_wait3A_92] : memref<3136xf32, #tpu.memory_space<vmem>> -> memref<16xf32, #tpu.memory_space<vmem>>
        %dma_wait3A_94 = tpu.memref_slice %arg6[%add3A_82] : memref<102400xf32, #tpu.memory_space<hbm>> -> memref<16xf32, #tpu.memory_space<hbm>>
        tpu.wait_dma2 semaphore(%run_scoped3A : memref<!tpu.dma_semaphore, #tpu.memory_space<semaphore_mem>>) src(%dma_wait3A_94 : memref<16xf32, #tpu.memory_space<hbm>>) dst(%dma_wait3A_93 : memref<16xf32, #tpu.memory_space<vmem>>)
        tpu.yield
      }) : () -> ()
    } else {
    }
    %dma_wait3A = arith.constant 0 : i32
    %dma_wait3A_48 = tpu.memref_slice %arg20[%dma_wait3A] : memref<3136xi32, #tpu.memory_space<vmem>> -> memref<3120xi32, #tpu.memory_space<vmem>>
    %dma_wait3A_49 = arith.constant 0 : i32
    %dma_wait3A_50 = tpu.memref_slice %arg5[%dma_wait3A_49] : memref<100000xi32, #tpu.memory_space<hbm>> -> memref<3120xi32, #tpu.memory_space<hbm>>
    %dma_wait3A_51 = arith.constant 0 : i32
    %dma_wait3A_52 = tpu.memref_slice %arg20[%dma_wait3A_51] : memref<3136xi32, #tpu.memory_space<vmem>> -> memref<3120xi32, #tpu.memory_space<vmem>>
    %dma_wait3A_53 = arith.constant 0 : i32
    %dma_wait3A_54 = tpu.memref_slice %arg5[%dma_wait3A_53] : memref<100000xi32, #tpu.memory_space<hbm>> -> memref<3120xi32, #tpu.memory_space<hbm>>
    tpu.wait_dma2 semaphore(%arg26 : memref<!tpu.dma_semaphore, #tpu.memory_space<semaphore_mem>>) src(%dma_wait3A_54 : memref<3120xi32, #tpu.memory_space<hbm>>) dst(%dma_wait3A_52 : memref<3120xi32, #tpu.memory_space<vmem>>)
    %dma_wait3A_55 = arith.constant 0 : i32
    %dma_wait3A_56 = tpu.memref_slice %arg19[%dma_wait3A_55] : memref<3136xf32, #tpu.memory_space<vmem>> -> memref<3120xf32, #tpu.memory_space<vmem>>
    %dma_wait3A_57 = arith.constant 0 : i32
    %dma_wait3A_58 = tpu.memref_slice %arg6[%dma_wait3A_57] : memref<102400xf32, #tpu.memory_space<hbm>> -> memref<3120xf32, #tpu.memory_space<hbm>>
    %dma_wait3A_59 = arith.constant 0 : i32
    %dma_wait3A_60 = tpu.memref_slice %arg19[%dma_wait3A_59] : memref<3136xf32, #tpu.memory_space<vmem>> -> memref<3120xf32, #tpu.memory_space<vmem>>
    %dma_wait3A_61 = arith.constant 0 : i32
    %dma_wait3A_62 = tpu.memref_slice %arg6[%dma_wait3A_61] : memref<102400xf32, #tpu.memory_space<hbm>> -> memref<3120xf32, #tpu.memory_space<hbm>>
    tpu.wait_dma2 semaphore(%arg26 : memref<!tpu.dma_semaphore, #tpu.memory_space<semaphore_mem>>) src(%dma_wait3A_62 : memref<3120xf32, #tpu.memory_space<hbm>>) dst(%dma_wait3A_60 : memref<3120xf32, #tpu.memory_space<vmem>>)
    %parallel_loop3A_63 = arith.constant 0 : i32
    %parallel_loop3A_64 = arith.constant 195 : i32
    %parallel_loop3A_65 = arith.constant 1 : i32
    scf.for %parallel_loop3A_79 = %parallel_loop3A_63 to %parallel_loop3A_64 step %parallel_loop3A_65  : i32 {
      %parallel_loop3A_80 = arith.constant 16 : i32
      %parallel_loop3A_81 = arith.muli %parallel_loop3A_79, %parallel_loop3A_80 : i32
      %parallel_loop3A_82 = arith.index_cast %parallel_loop3A_81 : i32 to index
      %parallel_loop3A_83 = tpu.vector_load %arg20[%parallel_loop3A_82] {strides = array<i32>} : memref<3136xi32, #tpu.memory_space<vmem>>, vector<16xi32>,
      %parallel_loop3A_84 = arith.addi %mul3A_3, %parallel_loop3A_83 : vector<16xi32>
      tpu.vector_store_idx %arg12[%parallel_loop3A_84], %broadcast_in_dim3A_6 {add = true} : memref<16400xf32, #tpu.memory_space<vmem>>[vector<16xi32>], vector<16xf32>,
      %parallel_loop3A_85 = arith.addi %mul3A_3, %parallel_loop3A_83 : vector<16xi32>
      %parallel_loop3A_86 = arith.index_cast %parallel_loop3A_81 : i32 to index
      %parallel_loop3A_87 = tpu.vector_load %arg19[%parallel_loop3A_86] {strides = array<i32>} : memref<3136xf32, #tpu.memory_space<vmem>>, vector<16xf32>,
      tpu.vector_store_idx %arg11[%parallel_loop3A_85], %parallel_loop3A_87 {add = true} : memref<16400xf32, #tpu.memory_space<vmem>>[vector<16xi32>], vector<16xf32>,
    } {sc.loop_unroll_factor = 8 : i64, sc.parallel_access}
    %lt3A_66 = arith.constant 10 : i32
    %lt3A_67 = arith.cmpi slt, %add3A, %lt3A_66 : i32
    %convert_element_type3A_68 = arith.extui %lt3A_67 : i1 to i32
    %cond3A_69 = arith.constant 0 : i32
    %cond3A_70 = arith.cmpi ne, %convert_element_type3A_68, %cond3A_69 : i32
    scf.if %cond3A_70 {
      %get3A = arith.constant 3120 : index
      %get3A_79 = tpu.vector_load %arg20[%get3A] {strides = array<i32>} : memref<3136xi32, #tpu.memory_space<vmem>>, vector<16xi32>,
      %add3A_80 = arith.addi %mul3A_3, %get3A_79 : vector<16xi32>
      tpu.vector_store_idx %arg12[%add3A_80], %broadcast_in_dim3A_6 {add = true} : memref<16400xf32, #tpu.memory_space<vmem>>[vector<16xi32>], vector<16xf32>,
      %add3A_81 = arith.addi %mul3A_3, %get3A_79 : vector<16xi32>
      %get3A_82 = arith.constant 3120 : index
      %get3A_83 = tpu.vector_load %arg19[%get3A_82] {strides = array<i32>} : memref<3136xf32, #tpu.memory_space<vmem>>, vector<16xf32>,
      tpu.vector_store_idx %arg11[%add3A_81], %get3A_83 {add = true} : memref<16400xf32, #tpu.memory_space<vmem>>[vector<16xi32>], vector<16xf32>,
    } else {
    }
    %scan3A = arith.constant 0 : i32
    %scan3A_71 = arith.constant 0 : i32
    %scan3A_72 = arith.constant 10 : i32
    %scan3A_73 = arith.addi %scan3A_71, %scan3A_72 : i32
    %scan3A_74 = arith.constant 1 : i32
    scf.for %scan3A_79 = %scan3A_71 to %scan3A_73 step %scan3A_74  : i32 {
      %mul3A_80 = arith.constant 2 : i32
      %mul3A_81 = arith.muli %mul3A_80, %scan3A_79 : i32
      %dma_wait3A_82 = arith.constant 0 : i32
      %dma_wait3A_83 = tpu.memref_slice %arg3[%dma_wait3A_82] : memref<6400000xf32, #tpu.memory_space<hbm>> -> memref<10000xf32, #tpu.memory_space<hbm>>
      %dma_wait3A_84 = arith.constant 0 : i32
      %dma_wait3A_85 = tpu.memref_slice %arg3[%dma_wait3A_84] : memref<6400000xf32, #tpu.memory_space<hbm>> -> memref<10000xf32, #tpu.memory_space<hbm>>
      tpu.wait_dma2 semaphore(%arg24 : memref<!tpu.dma_semaphore, #tpu.memory_space<semaphore_mem>>) src(%dma_wait3A_85 : memref<10000xf32, #tpu.memory_space<hbm>>) dst(%arg13 : memref<10000xf32, #tpu.memory_space<vmem>>)
      %dma_wait3A_86 = arith.constant 0 : i32
      %dma_wait3A_87 = tpu.memref_slice %arg4[%dma_wait3A_86] : memref<6400000xf32, #tpu.memory_space<hbm>> -> memref<10000xf32, #tpu.memory_space<hbm>>
      %dma_wait3A_88 = arith.constant 0 : i32
      %dma_wait3A_89 = tpu.memref_slice %arg4[%dma_wait3A_88] : memref<6400000xf32, #tpu.memory_space<hbm>> -> memref<10000xf32, #tpu.memory_space<hbm>>
      tpu.wait_dma2 semaphore(%arg24 : memref<!tpu.dma_semaphore, #tpu.memory_space<semaphore_mem>>) src(%dma_wait3A_89 : memref<10000xf32, #tpu.memory_space<hbm>>) dst(%arg14 : memref<10000xf32, #tpu.memory_space<vmem>>)
      %dma_wait3A_90 = arith.constant 0 : i32
      %dma_wait3A_91 = tpu.memref_slice %arg2[%dma_wait3A_90] : memref<6400000xi32, #tpu.memory_space<hbm>> -> memref<10000xi32, #tpu.memory_space<hbm>>
      %dma_wait3A_92 = arith.constant 0 : i32
      %dma_wait3A_93 = tpu.memref_slice %arg2[%dma_wait3A_92] : memref<6400000xi32, #tpu.memory_space<hbm>> -> memref<10000xi32, #tpu.memory_space<hbm>>
      tpu.wait_dma2 semaphore(%arg24 : memref<!tpu.dma_semaphore, #tpu.memory_space<semaphore_mem>>) src(%dma_wait3A_93 : memref<10000xi32, #tpu.memory_space<hbm>>) dst(%arg15 : memref<10000xi32, #tpu.memory_space<vmem>>)
      %parallel_loop3A_94 = arith.constant 0 : i32
      %parallel_loop3A_95 = arith.constant 625 : i32
      %parallel_loop3A_96 = arith.constant 1 : i32
      scf.for %parallel_loop3A_126 = %parallel_loop3A_94 to %parallel_loop3A_95 step %parallel_loop3A_96  : i32 {
        %parallel_loop3A_127 = arith.constant 16 : i32
        %parallel_loop3A_128 = arith.muli %parallel_loop3A_126, %parallel_loop3A_127 : i32
        %parallel_loop3A_129 = arith.index_cast %parallel_loop3A_128 : i32 to index
        %parallel_loop3A_130 = tpu.vector_load %arg13[%parallel_loop3A_129] {strides = array<i32>} : memref<10000xf32, #tpu.memory_space<vmem>>, vector<16xf32>,
        %parallel_loop3A_131 = arith.index_cast %parallel_loop3A_128 : i32 to index
        %parallel_loop3A_132 = tpu.vector_load %arg14[%parallel_loop3A_131] {strides = array<i32>} : memref<10000xf32, #tpu.memory_space<vmem>>, vector<16xf32>,
        %parallel_loop3A_133 = arith.subf %parallel_loop3A_130, %parallel_loop3A_132 : vector<16xf32>
        %parallel_loop3A_134 = arith.index_cast %parallel_loop3A_128 : i32 to index
        %parallel_loop3A_135 = tpu.vector_load %arg15[%parallel_loop3A_134] {strides = array<i32>} : memref<10000xi32, #tpu.memory_space<vmem>>, vector<16xi32>,
        %parallel_loop3A_136 = arith.addi %mul3A_3, %parallel_loop3A_135 : vector<16xi32>
        %parallel_loop3A_137 = arith.mulf %parallel_loop3A_133, %parallel_loop3A_133 : vector<16xf32>
        tpu.vector_store_idx %arg10[%parallel_loop3A_136], %parallel_loop3A_137 {add = true} : memref<16400xf32, #tpu.memory_space<vmem>>[vector<16xi32>], vector<16xf32>,
      } {sc.loop_unroll_factor = 16 : i64, sc.parallel_access}
      %add3A_97 = arith.constant 2 : i32
      %add3A_98 = arith.addi %mul3A_81, %add3A_97 : i32
      %lt3A_99 = arith.constant 20 : i32
      %lt3A_100 = arith.cmpi slt, %add3A_98, %lt3A_99 : i32
      %convert_element_type3A_101 = arith.extui %lt3A_100 : i1 to i32
      %cond3A_102 = arith.constant 0 : i32
      %cond3A_103 = arith.cmpi ne, %convert_element_type3A_101, %cond3A_102 : i32
      scf.if %cond3A_103 {
        %add3A_126 = arith.constant 2 : i32
        %add3A_127 = arith.addi %mul3A_81, %add3A_126 : i32
        %mul3A_128 = arith.constant 200000 : i32
        %mul3A_129 = arith.muli %add3A, %mul3A_128 : i32
        %mul3A_130 = arith.constant 10000 : i32
        %mul3A_131 = arith.muli %add3A_127, %mul3A_130 : i32
        %add3A_132 = arith.addi %mul3A_129, %mul3A_131 : i32
        %dma_start3A_133 = tpu.memref_slice %arg3[%add3A_132] : memref<6400000xf32, #tpu.memory_space<hbm>> -> memref<10000xf32, #tpu.memory_space<hbm>>
        %dma_start3A_134 = tpu.memref_slice %arg3[%add3A_132] : memref<6400000xf32, #tpu.memory_space<hbm>> -> memref<10000xf32, #tpu.memory_space<hbm>>
        tpu.enqueue_dma source(%dma_start3A_134 : memref<10000xf32, #tpu.memory_space<hbm>>) target(%arg13 : memref<10000xf32, #tpu.memory_space<vmem>>) target_semaphore(%arg24 : memref<!tpu.dma_semaphore, #tpu.memory_space<semaphore_mem>>)
        %dma_start3A_135 = tpu.memref_slice %arg4[%add3A_132] : memref<6400000xf32, #tpu.memory_space<hbm>> -> memref<10000xf32, #tpu.memory_space<hbm>>
        %dma_start3A_136 = tpu.memref_slice %arg4[%add3A_132] : memref<6400000xf32, #tpu.memory_space<hbm>> -> memref<10000xf32, #tpu.memory_space<hbm>>
        tpu.enqueue_dma source(%dma_start3A_136 : memref<10000xf32, #tpu.memory_space<hbm>>) target(%arg14 : memref<10000xf32, #tpu.memory_space<vmem>>) target_semaphore(%arg24 : memref<!tpu.dma_semaphore, #tpu.memory_space<semaphore_mem>>)
        %dma_start3A_137 = tpu.memref_slice %arg2[%add3A_132] : memref<6400000xi32, #tpu.memory_space<hbm>> -> memref<10000xi32, #tpu.memory_space<hbm>>
        %dma_start3A_138 = tpu.memref_slice %arg2[%add3A_132] : memref<6400000xi32, #tpu.memory_space<hbm>> -> memref<10000xi32, #tpu.memory_space<hbm>>
        tpu.enqueue_dma source(%dma_start3A_138 : memref<10000xi32, #tpu.memory_space<hbm>>) target(%arg15 : memref<10000xi32, #tpu.memory_space<vmem>>) target_semaphore(%arg24 : memref<!tpu.dma_semaphore, #tpu.memory_space<semaphore_mem>>)
      } else {
      }
      %dma_wait3A_104 = arith.constant 0 : i32
      %dma_wait3A_105 = tpu.memref_slice %arg3[%dma_wait3A_104] : memref<6400000xf32, #tpu.memory_space<hbm>> -> memref<10000xf32, #tpu.memory_space<hbm>>
      %dma_wait3A_106 = arith.constant 0 : i32
      %dma_wait3A_107 = tpu.memref_slice %arg3[%dma_wait3A_106] : memref<6400000xf32, #tpu.memory_space<hbm>> -> memref<10000xf32, #tpu.memory_space<hbm>>
      tpu.wait_dma2 semaphore(%arg25 : memref<!tpu.dma_semaphore, #tpu.memory_space<semaphore_mem>>) src(%dma_wait3A_107 : memref<10000xf32, #tpu.memory_space<hbm>>) dst(%arg16 : memref<10000xf32, #tpu.memory_space<vmem>>)
      %dma_wait3A_108 = arith.constant 0 : i32
      %dma_wait3A_109 = tpu.memref_slice %arg4[%dma_wait3A_108] : memref<6400000xf32, #tpu.memory_space<hbm>> -> memref<10000xf32, #tpu.memory_space<hbm>>
      %dma_wait3A_110 = arith.constant 0 : i32
      %dma_wait3A_111 = tpu.memref_slice %arg4[%dma_wait3A_110] : memref<6400000xf32, #tpu.memory_space<hbm>> -> memref<10000xf32, #tpu.memory_space<hbm>>
      tpu.wait_dma2 semaphore(%arg25 : memref<!tpu.dma_semaphore, #tpu.memory_space<semaphore_mem>>) src(%dma_wait3A_111 : memref<10000xf32, #tpu.memory_space<hbm>>) dst(%arg17 : memref<10000xf32, #tpu.memory_space<vmem>>)
      %dma_wait3A_112 = arith.constant 0 : i32
      %dma_wait3A_113 = tpu.memref_slice %arg2[%dma_wait3A_112] : memref<6400000xi32, #tpu.memory_space<hbm>> -> memref<10000xi32, #tpu.memory_space<hbm>>
      %dma_wait3A_114 = arith.constant 0 : i32
      %dma_wait3A_115 = tpu.memref_slice %arg2[%dma_wait3A_114] : memref<6400000xi32, #tpu.memory_space<hbm>> -> memref<10000xi32, #tpu.memory_space<hbm>>
      tpu.wait_dma2 semaphore(%arg25 : memref<!tpu.dma_semaphore, #tpu.memory_space<semaphore_mem>>) src(%dma_wait3A_115 : memref<10000xi32, #tpu.memory_space<hbm>>) dst(%arg18 : memref<10000xi32, #tpu.memory_space<vmem>>)
      %parallel_loop3A_116 = arith.constant 0 : i32
      %parallel_loop3A_117 = arith.constant 625 : i32
      %parallel_loop3A_118 = arith.constant 1 : i32
      scf.for %parallel_loop3A_126 = %parallel_loop3A_116 to %parallel_loop3A_117 step %parallel_loop3A_118  : i32 {
        %parallel_loop3A_127 = arith.constant 16 : i32
        %parallel_loop3A_128 = arith.muli %parallel_loop3A_126, %parallel_loop3A_127 : i32
        %parallel_loop3A_129 = arith.index_cast %parallel_loop3A_128 : i32 to index
        %parallel_loop3A_130 = tpu.vector_load %arg16[%parallel_loop3A_129] {strides = array<i32>} : memref<10000xf32, #tpu.memory_space<vmem>>, vector<16xf32>,
        %parallel_loop3A_131 = arith.index_cast %parallel_loop3A_128 : i32 to index
        %parallel_loop3A_132 = tpu.vector_load %arg17[%parallel_loop3A_131] {strides = array<i32>} : memref<10000xf32, #tpu.memory_space<vmem>>, vector<16xf32>,
        %parallel_loop3A_133 = arith.subf %parallel_loop3A_130, %parallel_loop3A_132 : vector<16xf32>
        %parallel_loop3A_134 = arith.index_cast %parallel_loop3A_128 : i32 to index
        %parallel_loop3A_135 = tpu.vector_load %arg18[%parallel_loop3A_134] {strides = array<i32>} : memref<10000xi32, #tpu.memory_space<vmem>>, vector<16xi32>,
        %parallel_loop3A_136 = arith.addi %mul3A_3, %parallel_loop3A_135 : vector<16xi32>
        %parallel_loop3A_137 = arith.mulf %parallel_loop3A_133, %parallel_loop3A_133 : vector<16xf32>
        tpu.vector_store_idx %arg10[%parallel_loop3A_136], %parallel_loop3A_137 {add = true} : memref<16400xf32, #tpu.memory_space<vmem>>[vector<16xi32>], vector<16xf32>,
      } {sc.loop_unroll_factor = 16 : i64, sc.parallel_access}
      %add3A_119 = arith.constant 3 : i32
      %add3A_120 = arith.addi %mul3A_81, %add3A_119 : i32
      %lt3A_121 = arith.constant 20 : i32
      %lt3A_122 = arith.cmpi slt, %add3A_120, %lt3A_121 : i32
      %convert_element_type3A_123 = arith.extui %lt3A_122 : i1 to i32
      %cond3A_124 = arith.constant 0 : i32
      %cond3A_125 = arith.cmpi ne, %convert_element_type3A_123, %cond3A_124 : i32
      scf.if %cond3A_125 {
        %add3A_126 = arith.constant 3 : i32
        %add3A_127 = arith.addi %mul3A_81, %add3A_126 : i32
        %mul3A_128 = arith.constant 200000 : i32
        %mul3A_129 = arith.muli %add3A, %mul3A_128 : i32
        %mul3A_130 = arith.constant 10000 : i32
        %mul3A_131 = arith.muli %add3A_127, %mul3A_130 : i32
        %add3A_132 = arith.addi %mul3A_129, %mul3A_131 : i32
        %dma_start3A_133 = tpu.memref_slice %arg3[%add3A_132] : memref<6400000xf32, #tpu.memory_space<hbm>> -> memref<10000xf32, #tpu.memory_space<hbm>>
        %dma_start3A_134 = tpu.memref_slice %arg3[%add3A_132] : memref<6400000xf32, #tpu.memory_space<hbm>> -> memref<10000xf32, #tpu.memory_space<hbm>>
        tpu.enqueue_dma source(%dma_start3A_134 : memref<10000xf32, #tpu.memory_space<hbm>>) target(%arg16 : memref<10000xf32, #tpu.memory_space<vmem>>) target_semaphore(%arg25 : memref<!tpu.dma_semaphore, #tpu.memory_space<semaphore_mem>>)
        %dma_start3A_135 = tpu.memref_slice %arg4[%add3A_132] : memref<6400000xf32, #tpu.memory_space<hbm>> -> memref<10000xf32, #tpu.memory_space<hbm>>
        %dma_start3A_136 = tpu.memref_slice %arg4[%add3A_132] : memref<6400000xf32, #tpu.memory_space<hbm>> -> memref<10000xf32, #tpu.memory_space<hbm>>
        tpu.enqueue_dma source(%dma_start3A_136 : memref<10000xf32, #tpu.memory_space<hbm>>) target(%arg17 : memref<10000xf32, #tpu.memory_space<vmem>>) target_semaphore(%arg25 : memref<!tpu.dma_semaphore, #tpu.memory_space<semaphore_mem>>)
        %dma_start3A_137 = tpu.memref_slice %arg2[%add3A_132] : memref<6400000xi32, #tpu.memory_space<hbm>> -> memref<10000xi32, #tpu.memory_space<hbm>>
        %dma_start3A_138 = tpu.memref_slice %arg2[%add3A_132] : memref<6400000xi32, #tpu.memory_space<hbm>> -> memref<10000xi32, #tpu.memory_space<hbm>>
        tpu.enqueue_dma source(%dma_start3A_138 : memref<10000xi32, #tpu.memory_space<hbm>>) target(%arg18 : memref<10000xi32, #tpu.memory_space<vmem>>) target_semaphore(%arg25 : memref<!tpu.dma_semaphore, #tpu.memory_space<semaphore_mem>>)
      } else {
      }
    }
    %scan3A_75 = arith.constant 10 : i32
    %parallel_loop3A_76 = arith.constant 0 : i32
    %parallel_loop3A_77 = arith.constant 64 : i32
    %parallel_loop3A_78 = arith.constant 1 : i32
    scf.for %parallel_loop3A_79 = %parallel_loop3A_76 to %parallel_loop3A_77 step %parallel_loop3A_78  : i32 {
      %parallel_loop3A_80 = arith.constant 16 : i32
      %parallel_loop3A_81 = arith.muli %parallel_loop3A_79, %parallel_loop3A_80 : i32
      %parallel_loop3A_82 = arith.constant 0 : i32
      %parallel_loop3A_83 = arith.addi %parallel_loop3A_82, %parallel_loop3A_81 : i32
      %parallel_loop3A_84 = arith.index_cast %parallel_loop3A_83 : i32 to index
      %parallel_loop3A_85 = tpu.vector_load %arg10[%parallel_loop3A_84] {strides = array<i32>} : memref<16400xf32, #tpu.memory_space<vmem>>, vector<16xf32>,
      %parallel_loop3A_86 = arith.addf %broadcast_in_dim3A_4, %parallel_loop3A_85 : vector<16xf32>
      %parallel_loop3A_87 = arith.constant 16 : i32
      %parallel_loop3A_88 = arith.muli %parallel_loop3A_79, %parallel_loop3A_87 : i32
      %parallel_loop3A_89 = arith.constant 0 : i32
      %parallel_loop3A_90 = arith.addi %parallel_loop3A_89, %parallel_loop3A_88 : i32
      %parallel_loop3A_91 = arith.index_cast %parallel_loop3A_90 : i32 to index
      %parallel_loop3A_92 = tpu.vector_load %arg11[%parallel_loop3A_91] {strides = array<i32>} : memref<16400xf32, #tpu.memory_space<vmem>>, vector<16xf32>,
      %parallel_loop3A_93 = arith.addf %broadcast_in_dim3A_4, %parallel_loop3A_92 : vector<16xf32>
      %parallel_loop3A_94 = arith.constant 16 : i32
      %parallel_loop3A_95 = arith.muli %parallel_loop3A_79, %parallel_loop3A_94 : i32
      %parallel_loop3A_96 = arith.constant 0 : i32
      %parallel_loop3A_97 = arith.addi %parallel_loop3A_96, %parallel_loop3A_95 : i32
      %parallel_loop3A_98 = arith.index_cast %parallel_loop3A_97 : i32 to index
      %parallel_loop3A_99 = tpu.vector_load %arg12[%parallel_loop3A_98] {strides = array<i32>} : memref<16400xf32, #tpu.memory_space<vmem>>, vector<16xf32>,
      %parallel_loop3A_100 = arith.addf %broadcast_in_dim3A_4, %parallel_loop3A_99 : vector<16xf32>
      %parallel_loop3A_101 = arith.constant 16 : i32
      %parallel_loop3A_102 = arith.muli %parallel_loop3A_79, %parallel_loop3A_101 : i32
      %parallel_loop3A_103 = arith.constant 1025 : i32
      %parallel_loop3A_104 = arith.addi %parallel_loop3A_103, %parallel_loop3A_102 : i32
      %parallel_loop3A_105 = arith.index_cast %parallel_loop3A_104 : i32 to index
      %parallel_loop3A_106 = tpu.vector_load %arg10[%parallel_loop3A_105] {strides = array<i32>} : memref<16400xf32, #tpu.memory_space<vmem>>, vector<16xf32>,
      %parallel_loop3A_107 = arith.addf %parallel_loop3A_86, %parallel_loop3A_106 : vector<16xf32>
      %parallel_loop3A_108 = arith.constant 16 : i32
      %parallel_loop3A_109 = arith.muli %parallel_loop3A_79, %parallel_loop3A_108 : i32
      %parallel_loop3A_110 = arith.constant 1025 : i32
      %parallel_loop3A_111 = arith.addi %parallel_loop3A_110, %parallel_loop3A_109 : i32
      %parallel_loop3A_112 = arith.index_cast %parallel_loop3A_111 : i32 to index
      %parallel_loop3A_113 = tpu.vector_load %arg11[%parallel_loop3A_112] {strides = array<i32>} : memref<16400xf32, #tpu.memory_space<vmem>>, vector<16xf32>,
      %parallel_loop3A_114 = arith.addf %parallel_loop3A_93, %parallel_loop3A_113 : vector<16xf32>
      %parallel_loop3A_115 = arith.constant 16 : i32
      %parallel_loop3A_116 = arith.muli %parallel_loop3A_79, %parallel_loop3A_115 : i32
      %parallel_loop3A_117 = arith.constant 1025 : i32
      %parallel_loop3A_118 = arith.addi %parallel_loop3A_117, %parallel_loop3A_116 : i32
      %parallel_loop3A_119 = arith.index_cast %parallel_loop3A_118 : i32 to index
      %parallel_loop3A_120 = tpu.vector_load %arg12[%parallel_loop3A_119] {strides = array<i32>} : memref<16400xf32, #tpu.memory_space<vmem>>, vector<16xf32>,
      %parallel_loop3A_121 = arith.addf %parallel_loop3A_100, %parallel_loop3A_120 : vector<16xf32>
      %parallel_loop3A_122 = arith.constant 16 : i32
      %parallel_loop3A_123 = arith.muli %parallel_loop3A_79, %parallel_loop3A_122 : i32
      %parallel_loop3A_124 = arith.constant 2050 : i32
      %parallel_loop3A_125 = arith.addi %parallel_loop3A_124, %parallel_loop3A_123 : i32
      %parallel_loop3A_126 = arith.index_cast %parallel_loop3A_125 : i32 to index
      %parallel_loop3A_127 = tpu.vector_load %arg10[%parallel_loop3A_126] {strides = array<i32>} : memref<16400xf32, #tpu.memory_space<vmem>>, vector<16xf32>,
      %parallel_loop3A_128 = arith.addf %parallel_loop3A_107, %parallel_loop3A_127 : vector<16xf32>
      %parallel_loop3A_129 = arith.constant 16 : i32
      %parallel_loop3A_130 = arith.muli %parallel_loop3A_79, %parallel_loop3A_129 : i32
      %parallel_loop3A_131 = arith.constant 2050 : i32
      %parallel_loop3A_132 = arith.addi %parallel_loop3A_131, %parallel_loop3A_130 : i32
      %parallel_loop3A_133 = arith.index_cast %parallel_loop3A_132 : i32 to index
      %parallel_loop3A_134 = tpu.vector_load %arg11[%parallel_loop3A_133] {strides = array<i32>} : memref<16400xf32, #tpu.memory_space<vmem>>, vector<16xf32>,
      %parallel_loop3A_135 = arith.addf %parallel_loop3A_114, %parallel_loop3A_134 : vector<16xf32>
      %parallel_loop3A_136 = arith.constant 16 : i32
      %parallel_loop3A_137 = arith.muli %parallel_loop3A_79, %parallel_loop3A_136 : i32
      %parallel_loop3A_138 = arith.constant 2050 : i32
      %parallel_loop3A_139 = arith.addi %parallel_loop3A_138, %parallel_loop3A_137 : i32
      %parallel_loop3A_140 = arith.index_cast %parallel_loop3A_139 : i32 to index
      %parallel_loop3A_141 = tpu.vector_load %arg12[%parallel_loop3A_140] {strides = array<i32>} : memref<16400xf32, #tpu.memory_space<vmem>>, vector<16xf32>,
      %parallel_loop3A_142 = arith.addf %parallel_loop3A_121, %parallel_loop3A_141 : vector<16xf32>
      %parallel_loop3A_143 = arith.constant 16 : i32
      %parallel_loop3A_144 = arith.muli %parallel_loop3A_79, %parallel_loop3A_143 : i32
      %parallel_loop3A_145 = arith.constant 3075 : i32
      %parallel_loop3A_146 = arith.addi %parallel_loop3A_145, %parallel_loop3A_144 : i32
      %parallel_loop3A_147 = arith.index_cast %parallel_loop3A_146 : i32 to index
      %parallel_loop3A_148 = tpu.vector_load %arg10[%parallel_loop3A_147] {strides = array<i32>} : memref<16400xf32, #tpu.memory_space<vmem>>, vector<16xf32>,
      %parallel_loop3A_149 = arith.addf %parallel_loop3A_128, %parallel_loop3A_148 : vector<16xf32>
      %parallel_loop3A_150 = arith.constant 16 : i32
      %parallel_loop3A_151 = arith.muli %parallel_loop3A_79, %parallel_loop3A_150 : i32
      %parallel_loop3A_152 = arith.constant 3075 : i32
      %parallel_loop3A_153 = arith.addi %parallel_loop3A_152, %parallel_loop3A_151 : i32
      %parallel_loop3A_154 = arith.index_cast %parallel_loop3A_153 : i32 to index
      %parallel_loop3A_155 = tpu.vector_load %arg11[%parallel_loop3A_154] {strides = array<i32>} : memref<16400xf32, #tpu.memory_space<vmem>>, vector<16xf32>,
      %parallel_loop3A_156 = arith.addf %parallel_loop3A_135, %parallel_loop3A_155 : vector<16xf32>
      %parallel_loop3A_157 = arith.constant 16 : i32
      %parallel_loop3A_158 = arith.muli %parallel_loop3A_79, %parallel_loop3A_157 : i32
      %parallel_loop3A_159 = arith.constant 3075 : i32
      %parallel_loop3A_160 = arith.addi %parallel_loop3A_159, %parallel_loop3A_158 : i32
      %parallel_loop3A_161 = arith.index_cast %parallel_loop3A_160 : i32 to index
      %parallel_loop3A_162 = tpu.vector_load %arg12[%parallel_loop3A_161] {strides = array<i32>} : memref<16400xf32, #tpu.memory_space<vmem>>, vector<16xf32>,
      %parallel_loop3A_163 = arith.addf %parallel_loop3A_142, %parallel_loop3A_162 : vector<16xf32>
      %parallel_loop3A_164 = arith.constant 16 : i32
      %parallel_loop3A_165 = arith.muli %parallel_loop3A_79, %parallel_loop3A_164 : i32
      %parallel_loop3A_166 = arith.constant 4100 : i32
      %parallel_loop3A_167 = arith.addi %parallel_loop3A_166, %parallel_loop3A_165 : i32
      %parallel_loop3A_168 = arith.index_cast %parallel_loop3A_167 : i32 to index
      %parallel_loop3A_169 = tpu.vector_load %arg10[%parallel_loop3A_168] {strides = array<i32>} : memref<16400xf32, #tpu.memory_space<vmem>>, vector<16xf32>,
      %parallel_loop3A_170 = arith.addf %parallel_loop3A_149, %parallel_loop3A_169 : vector<16xf32>
      %parallel_loop3A_171 = arith.constant 16 : i32
      %parallel_loop3A_172 = arith.muli %parallel_loop3A_79, %parallel_loop3A_171 : i32
      %parallel_loop3A_173 = arith.constant 4100 : i32
      %parallel_loop3A_174 = arith.addi %parallel_loop3A_173, %parallel_loop3A_172 : i32
      %parallel_loop3A_175 = arith.index_cast %parallel_loop3A_174 : i32 to index
      %parallel_loop3A_176 = tpu.vector_load %arg11[%parallel_loop3A_175] {strides = array<i32>} : memref<16400xf32, #tpu.memory_space<vmem>>, vector<16xf32>,
      %parallel_loop3A_177 = arith.addf %parallel_loop3A_156, %parallel_loop3A_176 : vector<16xf32>
      %parallel_loop3A_178 = arith.constant 16 : i32
      %parallel_loop3A_179 = arith.muli %parallel_loop3A_79, %parallel_loop3A_178 : i32
      %parallel_loop3A_180 = arith.constant 4100 : i32
      %parallel_loop3A_181 = arith.addi %parallel_loop3A_180, %parallel_loop3A_179 : i32
      %parallel_loop3A_182 = arith.index_cast %parallel_loop3A_181 : i32 to index
      %parallel_loop3A_183 = tpu.vector_load %arg12[%parallel_loop3A_182] {strides = array<i32>} : memref<16400xf32, #tpu.memory_space<vmem>>, vector<16xf32>,
      %parallel_loop3A_184 = arith.addf %parallel_loop3A_163, %parallel_loop3A_183 : vector<16xf32>
      %parallel_loop3A_185 = arith.constant 16 : i32
      %parallel_loop3A_186 = arith.muli %parallel_loop3A_79, %parallel_loop3A_185 : i32
      %parallel_loop3A_187 = arith.constant 5125 : i32
      %parallel_loop3A_188 = arith.addi %parallel_loop3A_187, %parallel_loop3A_186 : i32
      %parallel_loop3A_189 = arith.index_cast %parallel_loop3A_188 : i32 to index
      %parallel_loop3A_190 = tpu.vector_load %arg10[%parallel_loop3A_189] {strides = array<i32>} : memref<16400xf32, #tpu.memory_space<vmem>>, vector<16xf32>,
      %parallel_loop3A_191 = arith.addf %parallel_loop3A_170, %parallel_loop3A_190 : vector<16xf32>
      %parallel_loop3A_192 = arith.constant 16 : i32
      %parallel_loop3A_193 = arith.muli %parallel_loop3A_79, %parallel_loop3A_192 : i32
      %parallel_loop3A_194 = arith.constant 5125 : i32
      %parallel_loop3A_195 = arith.addi %parallel_loop3A_194, %parallel_loop3A_193 : i32
      %parallel_loop3A_196 = arith.index_cast %parallel_loop3A_195 : i32 to index
      %parallel_loop3A_197 = tpu.vector_load %arg11[%parallel_loop3A_196] {strides = array<i32>} : memref<16400xf32, #tpu.memory_space<vmem>>, vector<16xf32>,
      %parallel_loop3A_198 = arith.addf %parallel_loop3A_177, %parallel_loop3A_197 : vector<16xf32>
      %parallel_loop3A_199 = arith.constant 16 : i32
      %parallel_loop3A_200 = arith.muli %parallel_loop3A_79, %parallel_loop3A_199 : i32
      %parallel_loop3A_201 = arith.constant 5125 : i32
      %parallel_loop3A_202 = arith.addi %parallel_loop3A_201, %parallel_loop3A_200 : i32
      %parallel_loop3A_203 = arith.index_cast %parallel_loop3A_202 : i32 to index
      %parallel_loop3A_204 = tpu.vector_load %arg12[%parallel_loop3A_203] {strides = array<i32>} : memref<16400xf32, #tpu.memory_space<vmem>>, vector<16xf32>,
      %parallel_loop3A_205 = arith.addf %parallel_loop3A_184, %parallel_loop3A_204 : vector<16xf32>
      %parallel_loop3A_206 = arith.constant 16 : i32
      %parallel_loop3A_207 = arith.muli %parallel_loop3A_79, %parallel_loop3A_206 : i32
      %parallel_loop3A_208 = arith.constant 6150 : i32
      %parallel_loop3A_209 = arith.addi %parallel_loop3A_208, %parallel_loop3A_207 : i32
      %parallel_loop3A_210 = arith.index_cast %parallel_loop3A_209 : i32 to index
      %parallel_loop3A_211 = tpu.vector_load %arg10[%parallel_loop3A_210] {strides = array<i32>} : memref<16400xf32, #tpu.memory_space<vmem>>, vector<16xf32>,
      %parallel_loop3A_212 = arith.addf %parallel_loop3A_191, %parallel_loop3A_211 : vector<16xf32>
      %parallel_loop3A_213 = arith.constant 16 : i32
      %parallel_loop3A_214 = arith.muli %parallel_loop3A_79, %parallel_loop3A_213 : i32
      %parallel_loop3A_215 = arith.constant 6150 : i32
      %parallel_loop3A_216 = arith.addi %parallel_loop3A_215, %parallel_loop3A_214 : i32
      %parallel_loop3A_217 = arith.index_cast %parallel_loop3A_216 : i32 to index
      %parallel_loop3A_218 = tpu.vector_load %arg11[%parallel_loop3A_217] {strides = array<i32>} : memref<16400xf32, #tpu.memory_space<vmem>>, vector<16xf32>,
      %parallel_loop3A_219 = arith.addf %parallel_loop3A_198, %parallel_loop3A_218 : vector<16xf32>
      %parallel_loop3A_220 = arith.constant 16 : i32
      %parallel_loop3A_221 = arith.muli %parallel_loop3A_79, %parallel_loop3A_220 : i32
      %parallel_loop3A_222 = arith.constant 6150 : i32
      %parallel_loop3A_223 = arith.addi %parallel_loop3A_222, %parallel_loop3A_221 : i32
      %parallel_loop3A_224 = arith.index_cast %parallel_loop3A_223 : i32 to index
      %parallel_loop3A_225 = tpu.vector_load %arg12[%parallel_loop3A_224] {strides = array<i32>} : memref<16400xf32, #tpu.memory_space<vmem>>, vector<16xf32>,
      %parallel_loop3A_226 = arith.addf %parallel_loop3A_205, %parallel_loop3A_225 : vector<16xf32>
      %parallel_loop3A_227 = arith.constant 16 : i32
      %parallel_loop3A_228 = arith.muli %parallel_loop3A_79, %parallel_loop3A_227 : i32
      %parallel_loop3A_229 = arith.constant 7175 : i32
      %parallel_loop3A_230 = arith.addi %parallel_loop3A_229, %parallel_loop3A_228 : i32
      %parallel_loop3A_231 = arith.index_cast %parallel_loop3A_230 : i32 to index
      %parallel_loop3A_232 = tpu.vector_load %arg10[%parallel_loop3A_231] {strides = array<i32>} : memref<16400xf32, #tpu.memory_space<vmem>>, vector<16xf32>,
      %parallel_loop3A_233 = arith.addf %parallel_loop3A_212, %parallel_loop3A_232 : vector<16xf32>
      %parallel_loop3A_234 = arith.constant 16 : i32
      %parallel_loop3A_235 = arith.muli %parallel_loop3A_79, %parallel_loop3A_234 : i32
      %parallel_loop3A_236 = arith.constant 7175 : i32
      %parallel_loop3A_237 = arith.addi %parallel_loop3A_236, %parallel_loop3A_235 : i32
      %parallel_loop3A_238 = arith.index_cast %parallel_loop3A_237 : i32 to index
      %parallel_loop3A_239 = tpu.vector_load %arg11[%parallel_loop3A_238] {strides = array<i32>} : memref<16400xf32, #tpu.memory_space<vmem>>, vector<16xf32>,
      %parallel_loop3A_240 = arith.addf %parallel_loop3A_219, %parallel_loop3A_239 : vector<16xf32>
      %parallel_loop3A_241 = arith.constant 16 : i32
      %parallel_loop3A_242 = arith.muli %parallel_loop3A_79, %parallel_loop3A_241 : i32
      %parallel_loop3A_243 = arith.constant 7175 : i32
      %parallel_loop3A_244 = arith.addi %parallel_loop3A_243, %parallel_loop3A_242 : i32
      %parallel_loop3A_245 = arith.index_cast %parallel_loop3A_244 : i32 to index
      %parallel_loop3A_246 = tpu.vector_load %arg12[%parallel_loop3A_245] {strides = array<i32>} : memref<16400xf32, #tpu.memory_space<vmem>>, vector<16xf32>,
      %parallel_loop3A_247 = arith.addf %parallel_loop3A_226, %parallel_loop3A_246 : vector<16xf32>
      %parallel_loop3A_248 = arith.constant 16 : i32
      %parallel_loop3A_249 = arith.muli %parallel_loop3A_79, %parallel_loop3A_248 : i32
      %parallel_loop3A_250 = arith.constant 8200 : i32
      %parallel_loop3A_251 = arith.addi %parallel_loop3A_250, %parallel_loop3A_249 : i32
      %parallel_loop3A_252 = arith.index_cast %parallel_loop3A_251 : i32 to index
      %parallel_loop3A_253 = tpu.vector_load %arg10[%parallel_loop3A_252] {strides = array<i32>} : memref<16400xf32, #tpu.memory_space<vmem>>, vector<16xf32>,
      %parallel_loop3A_254 = arith.addf %parallel_loop3A_233, %parallel_loop3A_253 : vector<16xf32>
      %parallel_loop3A_255 = arith.constant 16 : i32
      %parallel_loop3A_256 = arith.muli %parallel_loop3A_79, %parallel_loop3A_255 : i32
      %parallel_loop3A_257 = arith.constant 8200 : i32
      %parallel_loop3A_258 = arith.addi %parallel_loop3A_257, %parallel_loop3A_256 : i32
      %parallel_loop3A_259 = arith.index_cast %parallel_loop3A_258 : i32 to index
      %parallel_loop3A_260 = tpu.vector_load %arg11[%parallel_loop3A_259] {strides = array<i32>} : memref<16400xf32, #tpu.memory_space<vmem>>, vector<16xf32>,
      %parallel_loop3A_261 = arith.addf %parallel_loop3A_240, %parallel_loop3A_260 : vector<16xf32>
      %parallel_loop3A_262 = arith.constant 16 : i32
      %parallel_loop3A_263 = arith.muli %parallel_loop3A_79, %parallel_loop3A_262 : i32
      %parallel_loop3A_264 = arith.constant 8200 : i32
      %parallel_loop3A_265 = arith.addi %parallel_loop3A_264, %parallel_loop3A_263 : i32
      %parallel_loop3A_266 = arith.index_cast %parallel_loop3A_265 : i32 to index
      %parallel_loop3A_267 = tpu.vector_load %arg12[%parallel_loop3A_266] {strides = array<i32>} : memref<16400xf32, #tpu.memory_space<vmem>>, vector<16xf32>,
      %parallel_loop3A_268 = arith.addf %parallel_loop3A_247, %parallel_loop3A_267 : vector<16xf32>
      %parallel_loop3A_269 = arith.constant 16 : i32
      %parallel_loop3A_270 = arith.muli %parallel_loop3A_79, %parallel_loop3A_269 : i32
      %parallel_loop3A_271 = arith.constant 9225 : i32
      %parallel_loop3A_272 = arith.addi %parallel_loop3A_271, %parallel_loop3A_270 : i32
      %parallel_loop3A_273 = arith.index_cast %parallel_loop3A_272 : i32 to index
      %parallel_loop3A_274 = tpu.vector_load %arg10[%parallel_loop3A_273] {strides = array<i32>} : memref<16400xf32, #tpu.memory_space<vmem>>, vector<16xf32>,
      %parallel_loop3A_275 = arith.addf %parallel_loop3A_254, %parallel_loop3A_274 : vector<16xf32>
      %parallel_loop3A_276 = arith.constant 16 : i32
      %parallel_loop3A_277 = arith.muli %parallel_loop3A_79, %parallel_loop3A_276 : i32
      %parallel_loop3A_278 = arith.constant 9225 : i32
      %parallel_loop3A_279 = arith.addi %parallel_loop3A_278, %parallel_loop3A_277 : i32
      %parallel_loop3A_280 = arith.index_cast %parallel_loop3A_279 : i32 to index
      %parallel_loop3A_281 = tpu.vector_load %arg11[%parallel_loop3A_280] {strides = array<i32>} : memref<16400xf32, #tpu.memory_space<vmem>>, vector<16xf32>,
      %parallel_loop3A_282 = arith.addf %parallel_loop3A_261, %parallel_loop3A_281 : vector<16xf32>
      %parallel_loop3A_283 = arith.constant 16 : i32
      %parallel_loop3A_284 = arith.muli %parallel_loop3A_79, %parallel_loop3A_283 : i32
      %parallel_loop3A_285 = arith.constant 9225 : i32
      %parallel_loop3A_286 = arith.addi %parallel_loop3A_285, %parallel_loop3A_284 : i32
      %parallel_loop3A_287 = arith.index_cast %parallel_loop3A_286 : i32 to index
      %parallel_loop3A_288 = tpu.vector_load %arg12[%parallel_loop3A_287] {strides = array<i32>} : memref<16400xf32, #tpu.memory_space<vmem>>, vector<16xf32>,
      %parallel_loop3A_289 = arith.addf %parallel_loop3A_268, %parallel_loop3A_288 : vector<16xf32>
      %parallel_loop3A_290 = arith.constant 16 : i32
      %parallel_loop3A_291 = arith.muli %parallel_loop3A_79, %parallel_loop3A_290 : i32
      %parallel_loop3A_292 = arith.constant 10250 : i32
      %parallel_loop3A_293 = arith.addi %parallel_loop3A_292, %parallel_loop3A_291 : i32
      %parallel_loop3A_294 = arith.index_cast %parallel_loop3A_293 : i32 to index
      %parallel_loop3A_295 = tpu.vector_load %arg10[%parallel_loop3A_294] {strides = array<i32>} : memref<16400xf32, #tpu.memory_space<vmem>>, vector<16xf32>,
      %parallel_loop3A_296 = arith.addf %parallel_loop3A_275, %parallel_loop3A_295 : vector<16xf32>
      %parallel_loop3A_297 = arith.constant 16 : i32
      %parallel_loop3A_298 = arith.muli %parallel_loop3A_79, %parallel_loop3A_297 : i32
      %parallel_loop3A_299 = arith.constant 10250 : i32
      %parallel_loop3A_300 = arith.addi %parallel_loop3A_299, %parallel_loop3A_298 : i32
      %parallel_loop3A_301 = arith.index_cast %parallel_loop3A_300 : i32 to index
      %parallel_loop3A_302 = tpu.vector_load %arg11[%parallel_loop3A_301] {strides = array<i32>} : memref<16400xf32, #tpu.memory_space<vmem>>, vector<16xf32>,
      %parallel_loop3A_303 = arith.addf %parallel_loop3A_282, %parallel_loop3A_302 : vector<16xf32>
      %parallel_loop3A_304 = arith.constant 16 : i32
      %parallel_loop3A_305 = arith.muli %parallel_loop3A_79, %parallel_loop3A_304 : i32
      %parallel_loop3A_306 = arith.constant 10250 : i32
      %parallel_loop3A_307 = arith.addi %parallel_loop3A_306, %parallel_loop3A_305 : i32
      %parallel_loop3A_308 = arith.index_cast %parallel_loop3A_307 : i32 to index
      %parallel_loop3A_309 = tpu.vector_load %arg12[%parallel_loop3A_308] {strides = array<i32>} : memref<16400xf32, #tpu.memory_space<vmem>>, vector<16xf32>,
      %parallel_loop3A_310 = arith.addf %parallel_loop3A_289, %parallel_loop3A_309 : vector<16xf32>
      %parallel_loop3A_311 = arith.constant 16 : i32
      %parallel_loop3A_312 = arith.muli %parallel_loop3A_79, %parallel_loop3A_311 : i32
      %parallel_loop3A_313 = arith.constant 11275 : i32
      %parallel_loop3A_314 = arith.addi %parallel_loop3A_313, %parallel_loop3A_312 : i32
      %parallel_loop3A_315 = arith.index_cast %parallel_loop3A_314 : i32 to index
      %parallel_loop3A_316 = tpu.vector_load %arg10[%parallel_loop3A_315] {strides = array<i32>} : memref<16400xf32, #tpu.memory_space<vmem>>, vector<16xf32>,
      %parallel_loop3A_317 = arith.addf %parallel_loop3A_296, %parallel_loop3A_316 : vector<16xf32>
      %parallel_loop3A_318 = arith.constant 16 : i32
      %parallel_loop3A_319 = arith.muli %parallel_loop3A_79, %parallel_loop3A_318 : i32
      %parallel_loop3A_320 = arith.constant 11275 : i32
      %parallel_loop3A_321 = arith.addi %parallel_loop3A_320, %parallel_loop3A_319 : i32
      %parallel_loop3A_322 = arith.index_cast %parallel_loop3A_321 : i32 to index
      %parallel_loop3A_323 = tpu.vector_load %arg11[%parallel_loop3A_322] {strides = array<i32>} : memref<16400xf32, #tpu.memory_space<vmem>>, vector<16xf32>,
      %parallel_loop3A_324 = arith.addf %parallel_loop3A_303, %parallel_loop3A_323 : vector<16xf32>
      %parallel_loop3A_325 = arith.constant 16 : i32
      %parallel_loop3A_326 = arith.muli %parallel_loop3A_79, %parallel_loop3A_325 : i32
      %parallel_loop3A_327 = arith.constant 11275 : i32
      %parallel_loop3A_328 = arith.addi %parallel_loop3A_327, %parallel_loop3A_326 : i32
      %parallel_loop3A_329 = arith.index_cast %parallel_loop3A_328 : i32 to index
      %parallel_loop3A_330 = tpu.vector_load %arg12[%parallel_loop3A_329] {strides = array<i32>} : memref<16400xf32, #tpu.memory_space<vmem>>, vector<16xf32>,
      %parallel_loop3A_331 = arith.addf %parallel_loop3A_310, %parallel_loop3A_330 : vector<16xf32>
      %parallel_loop3A_332 = arith.constant 16 : i32
      %parallel_loop3A_333 = arith.muli %parallel_loop3A_79, %parallel_loop3A_332 : i32
      %parallel_loop3A_334 = arith.constant 12300 : i32
      %parallel_loop3A_335 = arith.addi %parallel_loop3A_334, %parallel_loop3A_333 : i32
      %parallel_loop3A_336 = arith.index_cast %parallel_loop3A_335 : i32 to index
      %parallel_loop3A_337 = tpu.vector_load %arg10[%parallel_loop3A_336] {strides = array<i32>} : memref<16400xf32, #tpu.memory_space<vmem>>, vector<16xf32>,
      %parallel_loop3A_338 = arith.addf %parallel_loop3A_317, %parallel_loop3A_337 : vector<16xf32>
      %parallel_loop3A_339 = arith.constant 16 : i32
      %parallel_loop3A_340 = arith.muli %parallel_loop3A_79, %parallel_loop3A_339 : i32
      %parallel_loop3A_341 = arith.constant 12300 : i32
      %parallel_loop3A_342 = arith.addi %parallel_loop3A_341, %parallel_loop3A_340 : i32
      %parallel_loop3A_343 = arith.index_cast %parallel_loop3A_342 : i32 to index
      %parallel_loop3A_344 = tpu.vector_load %arg11[%parallel_loop3A_343] {strides = array<i32>} : memref<16400xf32, #tpu.memory_space<vmem>>, vector<16xf32>,
      %parallel_loop3A_345 = arith.addf %parallel_loop3A_324, %parallel_loop3A_344 : vector<16xf32>
      %parallel_loop3A_346 = arith.constant 16 : i32
      %parallel_loop3A_347 = arith.muli %parallel_loop3A_79, %parallel_loop3A_346 : i32
      %parallel_loop3A_348 = arith.constant 12300 : i32
      %parallel_loop3A_349 = arith.addi %parallel_loop3A_348, %parallel_loop3A_347 : i32
      %parallel_loop3A_350 = arith.index_cast %parallel_loop3A_349 : i32 to index
      %parallel_loop3A_351 = tpu.vector_load %arg12[%parallel_loop3A_350] {strides = array<i32>} : memref<16400xf32, #tpu.memory_space<vmem>>, vector<16xf32>,
      %parallel_loop3A_352 = arith.addf %parallel_loop3A_331, %parallel_loop3A_351 : vector<16xf32>
      %parallel_loop3A_353 = arith.constant 16 : i32
      %parallel_loop3A_354 = arith.muli %parallel_loop3A_79, %parallel_loop3A_353 : i32
      %parallel_loop3A_355 = arith.constant 13325 : i32
      %parallel_loop3A_356 = arith.addi %parallel_loop3A_355, %parallel_loop3A_354 : i32
      %parallel_loop3A_357 = arith.index_cast %parallel_loop3A_356 : i32 to index
      %parallel_loop3A_358 = tpu.vector_load %arg10[%parallel_loop3A_357] {strides = array<i32>} : memref<16400xf32, #tpu.memory_space<vmem>>, vector<16xf32>,
      %parallel_loop3A_359 = arith.addf %parallel_loop3A_338, %parallel_loop3A_358 : vector<16xf32>
      %parallel_loop3A_360 = arith.constant 16 : i32
      %parallel_loop3A_361 = arith.muli %parallel_loop3A_79, %parallel_loop3A_360 : i32
      %parallel_loop3A_362 = arith.constant 13325 : i32
      %parallel_loop3A_363 = arith.addi %parallel_loop3A_362, %parallel_loop3A_361 : i32
      %parallel_loop3A_364 = arith.index_cast %parallel_loop3A_363 : i32 to index
      %parallel_loop3A_365 = tpu.vector_load %arg11[%parallel_loop3A_364] {strides = array<i32>} : memref<16400xf32, #tpu.memory_space<vmem>>, vector<16xf32>,
      %parallel_loop3A_366 = arith.addf %parallel_loop3A_345, %parallel_loop3A_365 : vector<16xf32>
      %parallel_loop3A_367 = arith.constant 16 : i32
      %parallel_loop3A_368 = arith.muli %parallel_loop3A_79, %parallel_loop3A_367 : i32
      %parallel_loop3A_369 = arith.constant 13325 : i32
      %parallel_loop3A_370 = arith.addi %parallel_loop3A_369, %parallel_loop3A_368 : i32
      %parallel_loop3A_371 = arith.index_cast %parallel_loop3A_370 : i32 to index
      %parallel_loop3A_372 = tpu.vector_load %arg12[%parallel_loop3A_371] {strides = array<i32>} : memref<16400xf32, #tpu.memory_space<vmem>>, vector<16xf32>,
      %parallel_loop3A_373 = arith.addf %parallel_loop3A_352, %parallel_loop3A_372 : vector<16xf32>
      %parallel_loop3A_374 = arith.constant 16 : i32
      %parallel_loop3A_375 = arith.muli %parallel_loop3A_79, %parallel_loop3A_374 : i32
      %parallel_loop3A_376 = arith.constant 14350 : i32
      %parallel_loop3A_377 = arith.addi %parallel_loop3A_376, %parallel_loop3A_375 : i32
      %parallel_loop3A_378 = arith.index_cast %parallel_loop3A_377 : i32 to index
      %parallel_loop3A_379 = tpu.vector_load %arg10[%parallel_loop3A_378] {strides = array<i32>} : memref<16400xf32, #tpu.memory_space<vmem>>, vector<16xf32>,
      %parallel_loop3A_380 = arith.addf %parallel_loop3A_359, %parallel_loop3A_379 : vector<16xf32>
      %parallel_loop3A_381 = arith.constant 16 : i32
      %parallel_loop3A_382 = arith.muli %parallel_loop3A_79, %parallel_loop3A_381 : i32
      %parallel_loop3A_383 = arith.constant 14350 : i32
      %parallel_loop3A_384 = arith.addi %parallel_loop3A_383, %parallel_loop3A_382 : i32
      %parallel_loop3A_385 = arith.index_cast %parallel_loop3A_384 : i32 to index
      %parallel_loop3A_386 = tpu.vector_load %arg11[%parallel_loop3A_385] {strides = array<i32>} : memref<16400xf32, #tpu.memory_space<vmem>>, vector<16xf32>,
      %parallel_loop3A_387 = arith.addf %parallel_loop3A_366, %parallel_loop3A_386 : vector<16xf32>
      %parallel_loop3A_388 = arith.constant 16 : i32
      %parallel_loop3A_389 = arith.muli %parallel_loop3A_79, %parallel_loop3A_388 : i32
      %parallel_loop3A_390 = arith.constant 14350 : i32
      %parallel_loop3A_391 = arith.addi %parallel_loop3A_390, %parallel_loop3A_389 : i32
      %parallel_loop3A_392 = arith.index_cast %parallel_loop3A_391 : i32 to index
      %parallel_loop3A_393 = tpu.vector_load %arg12[%parallel_loop3A_392] {strides = array<i32>} : memref<16400xf32, #tpu.memory_space<vmem>>, vector<16xf32>,
      %parallel_loop3A_394 = arith.addf %parallel_loop3A_373, %parallel_loop3A_393 : vector<16xf32>
      %parallel_loop3A_395 = arith.constant 16 : i32
      %parallel_loop3A_396 = arith.muli %parallel_loop3A_79, %parallel_loop3A_395 : i32
      %parallel_loop3A_397 = arith.constant 15375 : i32
      %parallel_loop3A_398 = arith.addi %parallel_loop3A_397, %parallel_loop3A_396 : i32
      %parallel_loop3A_399 = arith.index_cast %parallel_loop3A_398 : i32 to index
      %parallel_loop3A_400 = tpu.vector_load %arg10[%parallel_loop3A_399] {strides = array<i32>} : memref<16400xf32, #tpu.memory_space<vmem>>, vector<16xf32>,
      %parallel_loop3A_401 = arith.addf %parallel_loop3A_380, %parallel_loop3A_400 : vector<16xf32>
      %parallel_loop3A_402 = arith.constant 16 : i32
      %parallel_loop3A_403 = arith.muli %parallel_loop3A_79, %parallel_loop3A_402 : i32
      %parallel_loop3A_404 = arith.constant 15375 : i32
      %parallel_loop3A_405 = arith.addi %parallel_loop3A_404, %parallel_loop3A_403 : i32
      %parallel_loop3A_406 = arith.index_cast %parallel_loop3A_405 : i32 to index
      %parallel_loop3A_407 = tpu.vector_load %arg11[%parallel_loop3A_406] {strides = array<i32>} : memref<16400xf32, #tpu.memory_space<vmem>>, vector<16xf32>,
      %parallel_loop3A_408 = arith.addf %parallel_loop3A_387, %parallel_loop3A_407 : vector<16xf32>
      %parallel_loop3A_409 = arith.constant 16 : i32
      %parallel_loop3A_410 = arith.muli %parallel_loop3A_79, %parallel_loop3A_409 : i32
      %parallel_loop3A_411 = arith.constant 15375 : i32
      %parallel_loop3A_412 = arith.addi %parallel_loop3A_411, %parallel_loop3A_410 : i32
      %parallel_loop3A_413 = arith.index_cast %parallel_loop3A_412 : i32 to index
      %parallel_loop3A_414 = tpu.vector_load %arg12[%parallel_loop3A_413] {strides = array<i32>} : memref<16400xf32, #tpu.memory_space<vmem>>, vector<16xf32>,
      %parallel_loop3A_415 = arith.addf %parallel_loop3A_394, %parallel_loop3A_414 : vector<16xf32>
      %parallel_loop3A_416 = arith.constant 16 : i32
      %parallel_loop3A_417 = arith.muli %parallel_loop3A_79, %parallel_loop3A_416 : i32
      %parallel_loop3A_418 = arith.index_cast %parallel_loop3A_417 : i32 to index
      %parallel_loop3A_419 = tpu.vector_load %arg21[%parallel_loop3A_418] {strides = array<i32>} : memref<1024xf32, #tpu.memory_space<vmem>>, vector<16xf32>,
      tpu.vector_store %arg21[%parallel_loop3A_418], %parallel_loop3A_401 {strides = array<i32>} : memref<1024xf32, #tpu.memory_space<vmem>>, vector<16xf32>,
      %parallel_loop3A_420 = arith.constant 16 : i32
      %parallel_loop3A_421 = arith.muli %parallel_loop3A_79, %parallel_loop3A_420 : i32
      %parallel_loop3A_422 = arith.index_cast %parallel_loop3A_421 : i32 to index
      %parallel_loop3A_423 = tpu.vector_load %arg22[%parallel_loop3A_422] {strides = array<i32>} : memref<1024xf32, #tpu.memory_space<vmem>>, vector<16xf32>,
      tpu.vector_store %arg22[%parallel_loop3A_422], %parallel_loop3A_408 {strides = array<i32>} : memref<1024xf32, #tpu.memory_space<vmem>>, vector<16xf32>,
      %parallel_loop3A_424 = arith.constant 16 : i32
      %parallel_loop3A_425 = arith.muli %parallel_loop3A_79, %parallel_loop3A_424 : i32
      %parallel_loop3A_426 = arith.index_cast %parallel_loop3A_425 : i32 to index
      %parallel_loop3A_427 = tpu.vector_load %arg23[%parallel_loop3A_426] {strides = array<i32>} : memref<1024xf32, #tpu.memory_space<vmem>>, vector<16xf32>,
      tpu.vector_store %arg23[%parallel_loop3A_426], %parallel_loop3A_415 {strides = array<i32>} : memref<1024xf32, #tpu.memory_space<vmem>>, vector<16xf32>,
    } {sc.loop_unroll_factor = 2 : i64, sc.parallel_access}
    "tpu.region"() ({
      %run_scoped3A = tpu.sem_alloc : memref<!tpu.dma_semaphore, #tpu.memory_space<semaphore_mem>>
      %dma_start3A_79 = arith.constant 0 : i32
      %dma_start3A_80 = tpu.memref_slice %arg7[%add3A, %dma_start3A_79] : memref<32x1024xf32, #tpu.memory_space<hbm>> -> memref<1x1024xf32, #tpu.memory_space<hbm>>
      %dma_start3A_81 = tpu.memref_squeeze %dma_start3A_80 : memref<1x1024xf32, #tpu.memory_space<hbm>> -> memref<1024xf32, #tpu.memory_space<hbm>>
      %dma_start3A_82 = arith.constant 0 : i32
      %dma_start3A_83 = tpu.memref_slice %arg7[%add3A, %dma_start3A_82] : memref<32x1024xf32, #tpu.memory_space<hbm>> -> memref<1x1024xf32, #tpu.memory_space<hbm>>
      %dma_start3A_84 = tpu.memref_squeeze %dma_start3A_83 : memref<1x1024xf32, #tpu.memory_space<hbm>> -> memref<1024xf32, #tpu.memory_space<hbm>>
      tpu.enqueue_dma source(%arg21 : memref<1024xf32, #tpu.memory_space<vmem>>) target(%dma_start3A_84 : memref<1024xf32, #tpu.memory_space<hbm>>) target_semaphore(%run_scoped3A : memref<!tpu.dma_semaphore, #tpu.memory_space<semaphore_mem>>)
      %dma_wait3A_85 = arith.constant 0 : i32
      %dma_wait3A_86 = tpu.memref_slice %arg7[%add3A, %dma_wait3A_85] : memref<32x1024xf32, #tpu.memory_space<hbm>> -> memref<1x1024xf32, #tpu.memory_space<hbm>>
      %dma_wait3A_87 = tpu.memref_squeeze %dma_wait3A_86 : memref<1x1024xf32, #tpu.memory_space<hbm>> -> memref<1024xf32, #tpu.memory_space<hbm>>
      %dma_wait3A_88 = arith.constant 0 : i32
      %dma_wait3A_89 = tpu.memref_slice %arg7[%add3A, %dma_wait3A_88] : memref<32x1024xf32, #tpu.memory_space<hbm>> -> memref<1x1024xf32, #tpu.memory_space<hbm>>
      %dma_wait3A_90 = tpu.memref_squeeze %dma_wait3A_89 : memref<1x1024xf32, #tpu.memory_space<hbm>> -> memref<1024xf32, #tpu.memory_space<hbm>>
      tpu.wait_dma2 semaphore(%run_scoped3A : memref<!tpu.dma_semaphore, #tpu.memory_space<semaphore_mem>>) src(%arg21 : memref<1024xf32, #tpu.memory_space<vmem>>) dst(%dma_wait3A_90 : memref<1024xf32, #tpu.memory_space<hbm>>)
      tpu.yield
    }) : () -> ()
    "tpu.region"() ({
      %run_scoped3A = tpu.sem_alloc : memref<!tpu.dma_semaphore, #tpu.memory_space<semaphore_mem>>
      %dma_start3A_79 = arith.constant 0 : i32
      %dma_start3A_80 = tpu.memref_slice %arg8[%add3A, %dma_start3A_79] : memref<32x1024xf32, #tpu.memory_space<hbm>> -> memref<1x1024xf32, #tpu.memory_space<hbm>>
      %dma_start3A_81 = tpu.memref_squeeze %dma_start3A_80 : memref<1x1024xf32, #tpu.memory_space<hbm>> -> memref<1024xf32, #tpu.memory_space<hbm>>
      %dma_start3A_82 = arith.constant 0 : i32
      %dma_start3A_83 = tpu.memref_slice %arg8[%add3A, %dma_start3A_82] : memref<32x1024xf32, #tpu.memory_space<hbm>> -> memref<1x1024xf32, #tpu.memory_space<hbm>>
      %dma_start3A_84 = tpu.memref_squeeze %dma_start3A_83 : memref<1x1024xf32, #tpu.memory_space<hbm>> -> memref<1024xf32, #tpu.memory_space<hbm>>
      tpu.enqueue_dma source(%arg22 : memref<1024xf32, #tpu.memory_space<vmem>>) target(%dma_start3A_84 : memref<1024xf32, #tpu.memory_space<hbm>>) target_semaphore(%run_scoped3A : memref<!tpu.dma_semaphore, #tpu.memory_space<semaphore_mem>>)
      %dma_wait3A_85 = arith.constant 0 : i32
      %dma_wait3A_86 = tpu.memref_slice %arg8[%add3A, %dma_wait3A_85] : memref<32x1024xf32, #tpu.memory_space<hbm>> -> memref<1x1024xf32, #tpu.memory_space<hbm>>
      %dma_wait3A_87 = tpu.memref_squeeze %dma_wait3A_86 : memref<1x1024xf32, #tpu.memory_space<hbm>> -> memref<1024xf32, #tpu.memory_space<hbm>>
      %dma_wait3A_88 = arith.constant 0 : i32
      %dma_wait3A_89 = tpu.memref_slice %arg8[%add3A, %dma_wait3A_88] : memref<32x1024xf32, #tpu.memory_space<hbm>> -> memref<1x1024xf32, #tpu.memory_space<hbm>>
      %dma_wait3A_90 = tpu.memref_squeeze %dma_wait3A_89 : memref<1x1024xf32, #tpu.memory_space<hbm>> -> memref<1024xf32, #tpu.memory_space<hbm>>
      tpu.wait_dma2 semaphore(%run_scoped3A : memref<!tpu.dma_semaphore, #tpu.memory_space<semaphore_mem>>) src(%arg22 : memref<1024xf32, #tpu.memory_space<vmem>>) dst(%dma_wait3A_90 : memref<1024xf32, #tpu.memory_space<hbm>>)
      tpu.yield
    }) : () -> ()
    "tpu.region"() ({
      %run_scoped3A = tpu.sem_alloc : memref<!tpu.dma_semaphore, #tpu.memory_space<semaphore_mem>>
      %dma_start3A_79 = arith.constant 0 : i32
      %dma_start3A_80 = tpu.memref_slice %arg9[%add3A, %dma_start3A_79] : memref<32x1024xf32, #tpu.memory_space<hbm>> -> memref<1x1024xf32, #tpu.memory_space<hbm>>
      %dma_start3A_81 = tpu.memref_squeeze %dma_start3A_80 : memref<1x1024xf32, #tpu.memory_space<hbm>> -> memref<1024xf32, #tpu.memory_space<hbm>>
      %dma_start3A_82 = arith.constant 0 : i32
      %dma_start3A_83 = tpu.memref_slice %arg9[%add3A, %dma_start3A_82] : memref<32x1024xf32, #tpu.memory_space<hbm>> -> memref<1x1024xf32, #tpu.memory_space<hbm>>
      %dma_start3A_84 = tpu.memref_squeeze %dma_start3A_83 : memref<1x1024xf32, #tpu.memory_space<hbm>> -> memref<1024xf32, #tpu.memory_space<hbm>>
      tpu.enqueue_dma source(%arg23 : memref<1024xf32, #tpu.memory_space<vmem>>) target(%dma_start3A_84 : memref<1024xf32, #tpu.memory_space<hbm>>) target_semaphore(%run_scoped3A : memref<!tpu.dma_semaphore, #tpu.memory_space<semaphore_mem>>)
      %dma_wait3A_85 = arith.constant 0 : i32
      %dma_wait3A_86 = tpu.memref_slice %arg9[%add3A, %dma_wait3A_85] : memref<32x1024xf32, #tpu.memory_space<hbm>> -> memref<1x1024xf32, #tpu.memory_space<hbm>>
      %dma_wait3A_87 = tpu.memref_squeeze %dma_wait3A_86 : memref<1x1024xf32, #tpu.memory_space<hbm>> -> memref<1024xf32, #tpu.memory_space<hbm>>
      %dma_wait3A_88 = arith.constant 0 : i32
      %dma_wait3A_89 = tpu.memref_slice %arg9[%add3A, %dma_wait3A_88] : memref<32x1024xf32, #tpu.memory_space<hbm>> -> memref<1x1024xf32, #tpu.memory_space<hbm>>
      %dma_wait3A_90 = tpu.memref_squeeze %dma_wait3A_89 : memref<1x1024xf32, #tpu.memory_space<hbm>> -> memref<1024xf32, #tpu.memory_space<hbm>>
      tpu.wait_dma2 semaphore(%run_scoped3A : memref<!tpu.dma_semaphore, #tpu.memory_space<semaphore_mem>>) src(%arg23 : memref<1024xf32, #tpu.memory_space<vmem>>) dst(%dma_wait3A_90 : memref<1024xf32, #tpu.memory_space<hbm>>)
      tpu.yield
    }) : () -> ()
    return
  }
}

module attributes {stable_mosaic.version = 14 : i64} {
  func.func @_epi_body(%arg0: memref<32x1024xf32, #tpu.memory_space<vmem>>, %arg1: memref<32x1024xf32, #tpu.memory_space<vmem>>, %arg2: memref<32x1024xf32, #tpu.memory_space<vmem>>, %arg3: memref<1x1xf32, #tpu.memory_space<vmem>>) attributes {dimension_semantics = [], scalar_prefetch = 0 : i64, scratch_operands = 0 : i64, tpu.core_type = #tpu.core_type<tc>} {
    %get3A = arith.constant 0 : index
    %get3A_0 = arith.constant 0 : index
    %get3A_1 = vector.load %arg0[%get3A, %get3A_0] : memref<32x1024xf32, #tpu.memory_space<vmem>>, vector<32x1024xf32>
    %reduce_sum3A = arith.constant dense<0.000000e+00> : vector<1024xf32>
    %reduce_sum3A_2 = vector.multi_reduction <add>, %get3A_1, %reduce_sum3A [0] : vector<32x1024xf32> to vector<1024xf32>
    %get3A_3 = arith.constant 0 : index
    %get3A_4 = arith.constant 0 : index
    %get3A_5 = vector.load %arg1[%get3A_3, %get3A_4] : memref<32x1024xf32, #tpu.memory_space<vmem>>, vector<32x1024xf32>
    %reduce_sum3A_6 = arith.constant dense<0.000000e+00> : vector<1024xf32>
    %reduce_sum3A_7 = vector.multi_reduction <add>, %get3A_5, %reduce_sum3A_6 [0] : vector<32x1024xf32> to vector<1024xf32>
    %get3A_8 = arith.constant 0 : index
    %get3A_9 = arith.constant 0 : index
    %get3A_10 = vector.load %arg2[%get3A_8, %get3A_9] : memref<32x1024xf32, #tpu.memory_space<vmem>>, vector<32x1024xf32>
    %reduce_sum3A_11 = arith.constant dense<0.000000e+00> : vector<1024xf32>
    %reduce_sum3A_12 = vector.multi_reduction <add>, %get3A_10, %reduce_sum3A_11 [0] : vector<32x1024xf32> to vector<1024xf32>
    %sqrt3A = math.sqrt %reduce_sum3A_2 : vector<1024xf32>
    %jit3A = arith.constant 1.000000e+00 : f32
    %max3A = vector.broadcast %jit3A : f32 to vector<1024xf32>
    %max3A_13 = arith.maximumf %max3A, %reduce_sum3A_12 : vector<1024xf32>
    %div3A = arith.divf %reduce_sum3A_7, %max3A_13 : vector<1024xf32>
    %sqrt3A_14 = math.sqrt %div3A : vector<1024xf32>
    %reduce_sum3A_15 = vector.shape_cast %sqrt3A : vector<1024xf32> to vector<1x1024xf32>
    %reduce_sum3A_16 = arith.constant dense<0.000000e+00> : vector<1xf32>
    %reduce_sum3A_17 = vector.multi_reduction <add>, %reduce_sum3A_15, %reduce_sum3A_16 [1] : vector<1x1024xf32> to vector<1xf32>
    %reduce_sum3A_18 = vector.shape_cast %reduce_sum3A_17 : vector<1xf32> to vector<1x1xf32>
    %reduce_sum3A_19 = vector.extract %reduce_sum3A_18[0, 0] : f32 from vector<1x1xf32>
    %reduce_sum3A_20 = vector.shape_cast %sqrt3A_14 : vector<1024xf32> to vector<1x1024xf32>
    %reduce_sum3A_21 = arith.constant dense<0.000000e+00> : vector<1xf32>
    %reduce_sum3A_22 = vector.multi_reduction <add>, %reduce_sum3A_20, %reduce_sum3A_21 [1] : vector<1x1024xf32> to vector<1xf32>
    %reduce_sum3A_23 = vector.shape_cast %reduce_sum3A_22 : vector<1xf32> to vector<1x1xf32>
    %reduce_sum3A_24 = vector.extract %reduce_sum3A_23[0, 0] : f32 from vector<1x1xf32>
    %mul3A = arith.constant 1.000000e+00 : f32
    %mul3A_25 = arith.mulf %mul3A, %reduce_sum3A_24 : f32
    %add3A = arith.addf %reduce_sum3A_19, %mul3A_25 : f32
    %div3A_26 = arith.constant 1.024000e+03 : f32
    %div3A_27 = arith.divf %add3A, %div3A_26 : f32
    %broadcast_in_dim3A = vector.broadcast %div3A_27 : f32 to vector<1x1xf32>
    %swap3A = arith.constant 0 : index
    %swap3A_28 = arith.constant 0 : index
    %swap3A_29 = vector.load %arg3[%swap3A, %swap3A_28] : memref<1x1xf32, #tpu.memory_space<vmem>>, vector<1x1xf32>
    tpu.vector_store %arg3[%swap3A, %swap3A_28], %broadcast_in_dim3A {strides = array<i32>} : memref<1x1xf32, #tpu.memory_space<vmem>>, vector<1x1xf32>,
    return
  }
}

module attributes {stable_mosaic.version = 14 : i64} {
  func.func @_sqx_body(%arg0: i32, %arg1: memref<3x51200xf32, #tpu.memory_space<vmem>>, %arg2: memref<3x51200xf32, #tpu.memory_space<vmem>>, %arg3: memref<51200xf32, #tpu.memory_space<vmem>>) attributes {dimension_semantics = [#tpu.dimension_semantics<arbitrary>], iteration_bounds = array<i64: 2>, scalar_prefetch = 0 : i64, scratch_operands = 0 : i64, tpu.core_type = #tpu.core_type<tc>, window_params = [{transform_indices = @transform_0, window_bounds = array<i64: 3, 51200>}, {transform_indices = @transform_1, window_bounds = array<i64: 3, 51200>}, {transform_indices = @transform_2, window_bounds = array<i64: 51200>}]} {
    %get3A = arith.constant 0 : index
    %get3A_0 = arith.constant 0 : index
    %get3A_1 = vector.load %arg1[%get3A, %get3A_0] : memref<3x51200xf32, #tpu.memory_space<vmem>>, vector<3x51200xf32>
    %get3A_2 = arith.constant 0 : index
    %get3A_3 = arith.constant 0 : index
    %get3A_4 = vector.load %arg2[%get3A_2, %get3A_3] : memref<3x51200xf32, #tpu.memory_space<vmem>>, vector<3x51200xf32>
    %sub3A = arith.subf %get3A_1, %get3A_4 : vector<3x51200xf32>
    %mul3A = arith.mulf %sub3A, %sub3A : vector<3x51200xf32>
    %reduce_sum3A = arith.constant dense<0.000000e+00> : vector<51200xf32>
    %reduce_sum3A_5 = vector.multi_reduction <add>, %mul3A, %reduce_sum3A [0] : vector<3x51200xf32> to vector<51200xf32>
    %swap3A = arith.constant 0 : index
    %swap3A_6 = vector.load %arg3[%swap3A] : memref<51200xf32, #tpu.memory_space<vmem>>, vector<51200xf32>
    tpu.vector_store %arg3[%swap3A], %reduce_sum3A_5 {strides = array<i32>} : memref<51200xf32, #tpu.memory_space<vmem>>, vector<51200xf32>,
    return
  }
  func.func @transform_0(%arg0: i32) -> (i32, i32) {
    %c0_i32 = arith.constant 0 : i32
    %c0_i32_0 = arith.constant 0 : i32
    return %c0_i32, %arg0 : i32, i32
  }
  func.func @transform_1(%arg0: i32) -> (i32, i32) {
    %c0_i32 = arith.constant 0 : i32
    %c0_i32_0 = arith.constant 0 : i32
    return %c0_i32, %arg0 : i32, i32
  }
  func.func @transform_2(%arg0: i32) -> i32 {
    %c0_i32 = arith.constant 0 : i32
    return %arg0 : i32
  }
}

</mosaic_0001>

<sc_bundles>
// kernel: kernel.5.cloned.1.call-start
scs
__scs_entry_jumppad:
0x0: {  	(pc) =	sbr.rel $0x88, $3  }
0x1: {  	(tag) =	ssettag $0x0;
	lr =	simm.s32 $0x1  }
0x2: {  	[smem:$0x3F9B] =	sst lr;
	_ =	strace $0xD0000000  }
0x3: {  	_ = 	snop  }
0x4: {  	_ = 	snop  }
0x5: {  	_ = 	snop  }
0x6: {  	_ = 	snop  }
0x7: {  	_ = 	snop  }
__scs_overlays_trampoline_lowered:
0x8: {  	[smem:$0x3FAA] =	sst s0  }
0x9: {  	[smem:$0x3FAB] =	sst s1  }
0xa: {  	[smem:$0x3FAC] =	sst s2  }
0xb: {  	[smem:$0x3FAD] =	sst s3  }
0xc: {  	[smem:$0x3FAE] =	sst s4  }
0xd: {  	[smem:$0x3FAF] =	sst s5  }
0xe: {  	[smem:$0x3FB0] =	sst s6  }
0xf: {  	[smem:$0x3FB1] =	sst s7  }
0x10: {  	[smem:$0x3FB2] =	sst s8  }
0x11: {  	[smem:$0x3FB3] =	sst s9;
	s0 =	simm.s32 @!p0 $0x0  }
0x12: {  	s1 =	sld [smem:$0x3F99];
	s0 =	simm.s32 @p0 $0x1  }
0x13: {  	[smem:$0x3FB4] =	sst s0;
	s0 =	simm.s32 @!p1 $0x0  }
0x14: {  	s2 =	sld [smem:$0x3F98];
	s0 =	simm.s32 @p1 $0x1  }
0x15: {  	[smem:$0x3FB5] =	sst s0;
	s0 =	simm.s32 @!p2 $0x0  }
0x16: {  	s3 =	sld [smem:$0x3FDB];
	s0 =	simm.s32 @p2 $0x1  }
0x17: {  	s4 =	simm.s32 $0x1BF5;
	[smem:$0x3FB7] =	sst s0  }
0x18: {  	s0 =	sld [smem:$0x3F9A];
	_ =	swait.ge [sflag:s4], $0x0  }
0x19: {  	s7 =	sld [smem:$0x3F9B]  }
0x1a: {  	s8 =	sadd.s32 $0xFFFFE003, lr  }
0x1b: {  	s9 =	sadd.s32 $0xFFFFFEF7, lr;
	s5 =	simm.s32 $0xFFFFFFFF;
	p2 =	slt.u32 s8, $0xFFFFF086  }
0x1c: {  	p1 =	slt.u32 s9, $0xF7A;
	s5 =	simm.s32 @!p2 $0x0  }
0x1d: {  	s5 =	simm.s32 @p1 $0x1;
	p0 =	seq.s32 s7, s2  }
0x1e: {  	s7 =	smul.u32 @!p0 $0xF7A, s2;
	p2 =	seq.s32 @!p0 s5, $0x0  }
0x1f: {  	s9 =	smul.u32 $0xF7A, s1;
	s8 =	simm.s32 @!p0 $0x1BF5;
	p2 =	por !p2, p0  }
0x20: {  	[sflag:s8] =	ssyncset.s32 @!p0 $0xFFFFF086;
	s6 =	sadd.s32 @!p0 s3, s7;
	s7 =	simm.s32 @!p0 $0x108  }
0x21: {  	s3 =	sadd.s32 s3, s9;
	s6 =	sadd.s32 @!p0 $0x88, s6;
	s7 =	simm.s32 @p2 $0x1082  }
0x22: {  	[simem:s7], [sflag:s8] =	dma.local @!p0 [hbm:s6], $0xF7A  }
0x23: {  	s9 =	sor.u32 $0xD0000000, s2;
	s6 =	simm.s32 $0x108;
	_ =	swait.ge @!p0 [sflag:s8], $0x0  }
0x24: {  	s3 =	sadd.s32 $0x88, s3;
	s6 =	simm.s32 @!p1 $0x1082;
	[sflag:s4] =	ssyncset.s32 $0xFFFFF086  }
0x25: {  	[simem:s6], [sflag:s4] =	dma.local [hbm:s3], $0xF7A  }
0x26: {  	[smem:$0x3F9B] =	sst s1;
	(tag) =	ssettag s2;
	_ =	strace s9  }
0x27: {  	s1 =	sld [smem:$0x3FAB]  }
0x28: {  	s2 =	sld [smem:$0x3FAC]  }
0x29: {  	s4 =	sld [smem:$0x3FAE]  }
0x2a: {  	p0 =	seq.s32 s5, $0x0;
	s5 =	sld [smem:$0x3FAF]  }
0x2b: {  	s6 =	sld [smem:$0x3FB0]  }
0x2c: {  	s7 =	sld [smem:$0x3FB1]  }
0x2d: {  	s3 =	simm.s32 $0x108;
	s8 =	sld [smem:$0x3FB2]  }
0x2e: {  	s3 =	simm.s32 @!p0 $0x1082;
	s9 =	sld [smem:$0x3FB3]  }
0x2f: {  	lr =	sadd.s32 s0, s3;
	s0 =	sld [smem:$0x3FAA]  }
0x30: {  	s3 =	sld [smem:$0x3FAD]  }
0x31: {  	[smem:$0x3FB6] =	sst s10  }
0x32: {  	s10 =	sld [smem:$0x3FB4];
	_ =	sdelay $0x3  }
0x33: {  	p0 =	seq.s32 s10, $0x1;
	s10 =	sld [smem:$0x3FB6];
	_ =	sdelay $0x3  }
0x34: {  	[smem:$0x3FB6] =	sst s10  }
0x35: {  	s10 =	sld [smem:$0x3FB5];
	_ =	sdelay $0x3  }
0x36: {  	p1 =	seq.s32 s10, $0x1;
	s10 =	sld [smem:$0x3FB6];
	_ =	sdelay $0x3  }
0x37: {  	[smem:$0x3FB6] =	sst s10  }
0x38: {  	s10 =	sld [smem:$0x3FB7]  }
0x39: {  	_ = 	snop;
	(pc) =	sbr.ind lr, $3  }
0x3a: {  	_ = 	snop  }
0x3b: {  	_ = 	snop  }
0x3c: {  	p2 =	seq.s32 s10, $0x1;
	s10 =	sld [smem:$0x3FB6]  }
0x3d: {  	_ =	shalt  }
0x3e: {  	_ =	shalt  }
0x3f: {  	_ =	shalt  }
0x40: {  	_ =	shalt  }
0x41: {  	_ =	shalt  }
0x42: {  	_ =	shalt  }
0x43: {  	_ =	shalt  }
0x44: {  	_ =	shalt  }
0x45: {  	_ =	shalt  }
0x46: {  	_ =	shalt  }
0x47: {  	_ =	shalt  }
0x48: {  	_ =	shalt  }
0x49: {  	_ =	shalt  }
0x4a: {  	_ =	shalt  }
0x4b: {  	_ =	shalt  }
0x4c: {  	_ =	shalt  }
0x4d: {  	_ =	shalt  }
0x4e: {  	_ =	shalt  }
0x4f: {  	_ =	shalt  }
0x50: {  	_ =	shalt  }
0x51: {  	_ =	shalt  }
0x52: {  	_ =	shalt  }
0x53: {  	_ =	shalt  }
0x54: {  	_ =	shalt  }
0x55: {  	_ =	shalt  }
0x56: {  	_ =	shalt  }
0x57: {  	_ =	shalt  }
0x58: {  	_ =	shalt  }
0x59: {  	_ =	shalt  }
0x5a: {  	_ =	shalt  }
0x5b: {  	_ =	shalt  }
0x5c: {  	_ =	shalt  }
0x5d: {  	_ =	shalt  }
0x5e: {  	_ =	shalt  }
0x5f: {  	_ =	shalt  }
0x60: {  	_ =	shalt  }
0x61: {  	_ =	shalt  }
0x62: {  	_ =	shalt  }
0x63: {  	_ =	shalt  }
0x64: {  	_ =	shalt  }
0x65: {  	_ =	shalt  }
0x66: {  	_ =	shalt  }
0x67: {  	_ =	shalt  }
0x68: {  	_ =	shalt  }
0x69: {  	_ =	shalt  }
0x6a: {  	_ =	shalt  }
0x6b: {  	_ =	shalt  }
0x6c: {  	_ =	shalt  }
0x6d: {  	_ =	shalt  }
0x6e: {  	_ =	shalt  }
0x6f: {  	_ =	shalt  }
0x70: {  	_ =	shalt  }
0x71: {  	_ =	shalt  }
0x72: {  	_ =	shalt  }
0x73: {  	_ =	shalt  }
0x74: {  	_ =	shalt  }
0x75: {  	_ =	shalt  }
0x76: {  	_ =	shalt  }
0x77: {  	_ =	shalt  }
0x78: {  	_ =	shalt  }
0x79: {  	_ =	shalt  }
0x7a: {  	_ =	shalt  }
0x7b: {  	_ =	shalt  }
0x7c: {  	_ =	shalt  }
0x7d: {  	_ =	shalt  }
0x7e: {  	_ =	shalt  }
0x7f: {  	_ =	shalt  }
0x80: {  	_ =	shalt  }
0x81: {  	_ =	shalt  }
0x82: {  	_ =	shalt  }
0x83: {  	_ =	shalt  }
0x84: {  	_ =	shalt  }
0x85: {  	_ =	shalt  }
0x86: {  	_ =	shalt  }
0x87: {  	_ =	shalt  }
.Lfunc_end0:
.L_simem_size_0:
called_computation_lowered:
.L_overlay_start_0:
0x88: {  	s2 =	sld [smem:$0x3FD9]  }
0x89: {  	s3 =	sld [smem:$0x3FFE];
	_ =	sdelay $0x1  }
0x8a: {  	s1 =	srdreg.scid  }
0x8b: {  	s0 =	sand.u32 $0x1, s1  }
0x8c: {  	s17 =	sshll.u32 s0, $0xA;
	s2 =	sadd.s32 s3, s2  }
0x8d: {  	s2 =	sadd.s32 s2, s17  }
0x8e: {  	[smem:$0x3FC2] =	sst s2  }
0x8f: {  	_ = 	snop  }
0x90: {  	s2 =	sld [smem:$0x3FC8]  }
0x91: {  	s18 =	sld [smem:$0x3FC6]  }
0x92: {  	s4 =	sld [smem:$0x3FC5]  }
0x93: {  	s5 =	sld [smem:$0x3FC4];
	(tm) =	ssettm $0x1  }
0x94: {  	s6 =	sld [smem:$0x3FFB];
	_ =	sdelay $0x3  }
0x95: {  	_ =	strace s6  }
0x96: {  	s6 =	sld [smem:$0x3FFC];
	_ =	sdelay $0x3  }
0x97: {  	_ =	strace s6  }
0x98: {  	s6 =	sld [smem:$0x3FFD];
	_ =	sdelay $0x3  }
0x99: {  	_ =	strace s6  }
0x9a: {  	_ =	strace $0x8FFFFFFF  }
0x9b: {  	s19 =	sld [smem:$0x3FDB];
	_ =	sdelay $0x1  }
0x9c: {  	s7 =	simm.s32 $_scs_section_size  }
0x9d: {  	s8 =	simm.s32 $_size__tile_overlayer_lowered;
	s9 =	simm.s32 $_tile_overlayer_lowered  }
0x9e: {  	s22 =	simm.s32 $0x1BFF;
	s21 =	sshll.u32 s9, $0x1;
	s6 =	sadd.s32 s7, s19  }
0x9f: {  	s10 =	simm.s32 $0x0;
	s20 =	sshll.u32 s8, $0x1;
	s8 =	sadd.s32 s21, s6  }
0xa0: {  	[timem:s10], [sflag:s22] =	dma.local [hbm:s8], s20  }
0xa1: {  	_ =	swait.ge [sflag:s22], s20  }
0xa2: {  	s7 =	ssub.s32 $0x0, s20;
	[sflag:s22] =	ssyncset.done $0x0  }
0xa3: {  	[sflag:s22] =	ssyncadd.s32 s7;
	_ =	sdelay $0x1  }
0xa4: {  	s23 =	simm.s32 $0x1B8B  }
0xa5: {  	_ =	swait.ge [sflag:s23], $0x1  }
0xa6: {  	[sflag:s23] =	ssyncset.done $0x0  }
0xa7: {  	s25 =	simm.s32 $0x1B8E;
	s24 =	sld [smem:$0x3FFE];
	[sflag:s23] =	ssyncadd.s32 $0xFFFFFFFF  }
0xa8: {  	s26 =	simm.s32 $execute0_lowered;
	[smem:$0x3FD2] =	sst s25  }
0xa9: {  	s8 =	sshll.u32 s26, $0x1;
	_ =	strace $0x80000046;
	[dreg:$0x1] =	wrdreg $0xFFFFFFFF  }
0xaa: {  	s28 =	simm.s32 $_size_execute0_lowered;
	s6 =	sadd.s32 s6, s8;
	[dreg:$0x0] =	wrdreg $0x0  }
0xab: {  	s8 =	sshll.u32 s28, $0x1;
	[dreg:$0x2] =	wrdreg s6  }
0xac: {  	[dreg:$0x3] =	wrdreg s8  }
0xad: {  	[dreg:$0x4] =	wrdreg $0xC0  }
0xae: {  	_ =	task [dreg:s10], $0x5FFFF  }
0xaf: {  	[dreg:$0x1] =	wrdreg $0xFFFFFFFF  }
0xb0: {  	[dreg:$0x0] =	wrdreg $0x60  }
0xb1: {  	[dreg:$0x2] =	wrdreg s4  }
0xb2: {  	[dreg:$0x3] =	wrdreg s2  }
0xb3: {  	[dreg:$0x4] =	wrdreg s18  }
0xb4: {  	[dreg:$0x5] =	wrdreg s5  }
0xb5: {  	[dreg:$0x6] =	wrdreg s24  }
0xb6: {  	[dreg:$0x7] =	wrdreg $0x9  }
0xb7: {  	_ =	task.clear_ibuf [dreg:s10], $0x8FFFF;
	_ =	strace $0x90000046  }
0xb8: {  	s29 =	simm.s32 $0x9;
	_ =	strace $0x80000048  }
0xb9: {  	_ =	swait.ge [sflag:s29], $0x1  }
0xba: {  	[sflag:s29] =	ssyncadd.s32 $0xFFFFFFFF  }
0xbb: {  	_ =	strace $0x90000048  }
0xbc: {  	_ =	sfence  }
0xbd: {  	s30 =	sld [smem:$0x0];
	_ =	sdelay $0x2  }
0xbe: {  	s31 =	sshll.u32 s1, $0xD;
	s1 =	sshrl.u32 s1, $0x2  }
0xbf: {  	s3 =	sand.u32 $0x4000, s31;
	s1 =	sadd.s32 s1, s30  }
0xc0: {  	s0 =	sor.u32 s3, s0;
	s1 =	sshll.u32 s1, $0x11  }
0xc1: {  	s0 =	sor.u32 s1, s0  }
0xc2: {  	s0 =	sadd.s32 $0x8F2B, s0  }
0xc3: {  	[sflag:s0] =	ssyncadd.remote.s32 $0x1  }
0xc4: {  	_ =	sfence.sel $0xFFFF  }
0xc5: {  	[dreg:$0x0] =	wrdreg $0xFFFFFFFF;
	(pc) =	sbr.abs _section_cstart, $3  }
0xc6: {  	[dreg:$0x1] =	wrdreg $0xFFFFFFFF  }
0xc7: {  	_ =	task.clear_ibuf [dreg:s10], $0x2FFFF;
	_ =	strace $0x9FFFFFFF  }
0xc8: {  	(tm) =	ssettm $0x7FFFFFFF  }
0xc9: {  	_ =	shalt  }
tec
execute0_lowered:
.L_overlay_start_1:
0x0: {  	(tag) =	ssettag $0x1  }
0x1: {  	s0 =	rddreg [dreg:$0x0]  }
0x2: {  	s2 =	rddreg [dreg:$0x1]  }
0x3: {  	s3 =	rddreg [dreg:$0x2]  }
0x4: {  	s1 =	rddreg [dreg:$0x3];
	s4 =	srdreg.scid  }
0x5: {  	s12 =	stileid.u32;
	s6 =	rddreg [dreg:$0x4]  }
0x6: {  	s5 =	simm.s32 $0x0;
	s28 =	simm.s32 $0x18700;
	s31 =	simm.s32 $0x3  }
0x7: {  	s29 =	simm.s32 $0x400;
	s30 =	simm.s32 $0x4;
	s4 =	sand.u32 $0x1, s4  }
0x8: {  	s7 =	sshll.u32 s12, $0x1;
	[smem:$0x7FF] =	sst s5;
	s8 =	sshll.u32 s12, $0x8  }
0x9: {  	s10 =	sadd.s32 $0x1400, s6;
	p0 =	sgt.u32 s12, $0x4;
	s7 =	sor.u32 s4, s7  }
0xa: {  	_ =	strace $0x80000047;
	s4 =	ssub.s32 $0x2, s4;
	s18 =	smul.u32 $0x30D40, s7  }
0xb: {  	s9 =	sshll.u32 s7, $0x4;
	s19 =	sshrl.u32 s4, $0x1;
	s11 =	smul.u32 $0xC3, s7  }
0xc: {  	s7 =	smin.u32 s7, $0xA;
	s8 =	sor.u32 s8, s9;
	s4 =	ssub.s32 s4, s19  }
0xd: {  	s8 =	sand.u32 $0xC70, s8;
	s20 =	sshrl.u32 s18, $0x3;
	s7 =	sadd.s32 s7, s11  }
0xe: {  	s16 =	sadd.s32 $0x4E20, s18;
	s17 =	sadd.s32 $0x7530, s18;
	s13 =	sadd.s32 s2, s20  }
0xf: {  	s6 =	sadd.s32 s8, s6;
	s21 =	sadd.s32 s3, s20;
	[dreg:$0x6] =	wrdreg s13  }
0x10: {  	s22 =	sadd.s32 s0, s20;
	s8 =	sadd.s32 $0x4E2, s20;
	[dreg:$0x7] =	wrdreg s21  }
0x11: {  	s7 =	sshll.u32 s7, $0x1;
	[dreg:$0x8] =	wrdreg s22;
	s23 =	sadd.s32 s2, s8  }
0x12: {  	s24 =	sadd.s32 s3, s8;
	s8 =	sadd.s32 s0, s8;
	s25 =	sadd.s32 s1, s7  }
0x13: {  	s26 =	sadd.s32 $0x186, s7;
	s7 =	sadd.s32 s10, s7;
	[dreg:$0x9] =	wrdreg s23  }
0x14: {  	s18 =	sadd.s32 $0x4600, s6;
	s19 =	sadd.s32 $0x5600, s6;
	[dreg:$0xa] =	wrdreg s24  }
0x15: {  	s20 =	sadd.s32 $0x6600, s6;
	s21 =	smax.u32 s4, $0x1;
	[dreg:$0xb] =	wrdreg s8  }
0x16: {  	s4 =	simm.s32 $0x8100;
	s22 =	simm.s32 $0x1;
	[dreg:$0xc] =	wrdreg s25  }
0x17: {  	s6 =	simm.s32 $0x0;
	[dreg:$0xd] =	wrdreg s7;
	s14 =	sadd.s32 s1, s26  }
0x18: {  	v1 =	vlaneseq.u32;
	s15 =	sadd.s32 s10, s26;
	s25 =	simm.s32 $0x13800;
	s26 =	simm.s32 $0x15F80  }
0x19: {  	v0 =	vimm.f32 $0.0e+00;
	v2 =	vimm.f32 $1.000000000e+00;
	v1 =	vmul.u32 $0x401, v1;
	s1 =	simm.s32 $0x4080;
	s23 =	simm.s32 $0x2;
	s24 =	simm.s32 $0x80  }
.LBB2_1:
0x1a: {  	s7 =	rddreg [dreg:$0x6];
	s8 =	simm.s32 $0xC180  }
0x1b: {  	[tilespmem:s8], [sflag:$0x1] =	stream.linear.gather [hbm4b:s7+s5], $0x2710, $0x38;
	[tilespmem:$0x1D380] =	vst v63  }
0x1c: {  	s9 =	rddreg [dreg:$0x7];
	s10 =	simm.s32 $0xE900  }
0x1d: {  	[tilespmem:s10], [sflag:$0x1] =	stream.linear.gather [hbm4b:s9+s5], $0x2710, $0x38;
	[tilespmem:$0x1D380] =	vst v63  }
0x1e: {  	s11 =	rddreg [dreg:$0x8];
	s12 =	simm.s32 $0x11080  }
0x1f: {  	[tilespmem:s12], [sflag:$0x1] =	stream.linear.gather [hbm4b:s11+s5], $0x2710, $0x38;
	[tilespmem:$0x1D380] =	vst v63  }
0x20: {  	s13 =	rddreg [dreg:$0x9]  }
0x21: {  	[tilespmem:s25], [sflag:$0x2] =	stream.linear.gather [hbm4b:s13+s5], $0x2710, $0x38;
	[tilespmem:$0x1D380] =	vst v63  }
0x22: {  	s8 =	rddreg [dreg:$0xa]  }
0x23: {  	[tilespmem:s26], [sflag:$0x2] =	stream.linear.gather [hbm4b:s8+s5], $0x2710, $0x38;
	[tilespmem:$0x1D380] =	vst v63  }
0x24: {  	s9 =	rddreg [dreg:$0xb]  }
0x25: {  	[tilespmem:s28], [sflag:$0x2] =	stream.linear.gather [hbm4b:s9+s5], $0x2710, $0x38;
	[tilespmem:$0x1D380] =	vst v63  }
0x26: {  	s10 =	rddreg [dreg:$0xc];
	s11 =	simm.s32 $0x1BB00  }
0x27: {  	[tilespmem:s11], [sflag:$0x3] =	stream.linear.gather [hbm4b:s10+s5], $0xC30, $0x38;
	[tilespmem:$0x1D380] =	vst v63  }
0x28: {  	s7 =	simm.s32 $0x40;
	s12 =	rddreg [dreg:$0xd];
	s13 =	simm.s32 $0x1AE80  }
0x29: {  	[tilespmem:s13], [sflag:$0x3] =	stream.linear.gather [hbm4b:s12+s5], $0xC30, $0x38;
	[tilespmem:$0x1D380] =	vst v63  }
0x2a: {  	[tilespmem:s7+$0xFFFFFFD0] =	vst v0  }
0x2b: {  	[tilespmem:s7+$0x0] =	vst v0  }
0x2c: {  	[tilespmem:s7+$0xFFFFFFC0] =	vst v0  }
0x2d: {  	[tilespmem:s7+$0x30] =	vst v0  }
0x2e: {  	[tilespmem:s7+$0xFFFFFFF0] =	vst v0  }
0x2f: {  	[tilespmem:s7+$0xFFFFFFE0] =	vst v0  }
0x30: {  	[tilespmem:s7+$0x10] =	vst v0  }
0x31: {  	s9 =	simm.s32 $0x40C0;
	[tilespmem:s7+$0x20] =	vst v0  }
0x32: {  	[tilespmem:s9+$0xFFFFFFC0] =	vst v0  }
0x33: {  	[tilespmem:s9+$0x30] =	vst v0  }
0x34: {  	[tilespmem:s9+$0x0] =	vst v0  }
0x35: {  	[tilespmem:s9+$0x20] =	vst v0  }
0x36: {  	[tilespmem:s9+$0x10] =	vst v0  }
0x37: {  	[tilespmem:s9+$0xFFFFFFD0] =	vst v0  }
0x38: {  	[tilespmem:s9+$0xFFFFFFE0] =	vst v0  }
0x39: {  	s8 =	simm.s32 $0x8140;
	[tilespmem:s9+$0xFFFFFFF0] =	vst v0  }
0x3a: {  	[tilespmem:s8+$0xFFFFFFC0] =	vst v0  }
0x3b: {  	[tilespmem:s8+$0x30] =	vst v0  }
0x3c: {  	[tilespmem:s8+$0x20] =	vst v0  }
0x3d: {  	[tilespmem:s8+$0x10] =	vst v0  }
0x3e: {  	s10 =	simm.s32 $0x0;
	s11 =	simm.s32 $0x81C0;
	[tilespmem:s8+$0xFFFFFFD0] =	vst v0  }
.LBB2_2:
0x3f: {  	s10 =	sadd.s32 $0x8, s10;
	[tilespmem:s8+$0xFFFFFFE0] =	vst v0;
	s7 =	sadd.s32 $0x80, s7;
	s9 =	sadd.s32 $0x80, s9  }
0x40: {  	p1 =	slt.u32 s10, $0x3F8;
	[tilespmem:s8+$0x0] =	vst v0  }
0x41: {  	[tilespmem:s8+$0xFFFFFFF0] =	vst v0;
	s8 =	smov.u32 s11  }
0x42: {  	[tilespmem:s7+$0xFFFFFFD0] =	vst v0  }
0x43: {  	[tilespmem:s7+$0x0] =	vst v0  }
0x44: {  	[tilespmem:s7+$0xFFFFFFC0] =	vst v0  }
0x45: {  	[tilespmem:s9+$0xFFFFFFC0] =	vst v0  }
0x46: {  	[tilespmem:s11+$0xFFFFFFC0] =	vst v0  }
0x47: {  	[tilespmem:s7+$0x30] =	vst v0  }
0x48: {  	[tilespmem:s9+$0x30] =	vst v0  }
0x49: {  	[tilespmem:s11+$0x30] =	vst v0  }
0x4a: {  	[tilespmem:s9+$0x0] =	vst v0  }
0x4b: {  	[tilespmem:s7+$0xFFFFFFF0] =	vst v0  }
0x4c: {  	[tilespmem:s7+$0xFFFFFFE0] =	vst v0  }
0x4d: {  	[tilespmem:s7+$0x10] =	vst v0  }
0x4e: {  	[tilespmem:s7+$0x20] =	vst v0  }
0x4f: {  	[tilespmem:s9+$0x20] =	vst v0  }
0x50: {  	[tilespmem:s11+$0x20] =	vst v0  }
0x51: {  	[tilespmem:s9+$0x10] =	vst v0  }
.Ltmp0:
0x52: {  	[tilespmem:s11+$0x10] =	vst v0;
	(pc) =	sbr.rel @p1 .LBB2_2-.Ltmp0, $4  }
0x53: {  	[tilespmem:s9+$0xFFFFFFD0] =	vst v0  }
0x54: {  	[tilespmem:s9+$0xFFFFFFE0] =	vst v0  }
0x55: {  	[tilespmem:s11+$0xFFFFFFD0] =	vst v0  }
0x56: {  	s11 =	sadd.s32 $0x80, s11;
	[tilespmem:s9+$0xFFFFFFF0] =	vst v0  }
0x57: {  	[tilespmem:s8+$0xFFFFFFE0] =	vst v0  }
0x58: {  	[tilespmem:s8+$0x0] =	vst v0  }
0x59: {  	[tilespmem:s8+$0xFFFFFFF0] =	vst v0  }
0x5a: {  	[tilespmem:$0x4000] =	vst v0  }
0x5b: {  	[tilespmem:$0x8080] =	vst v0  }
0x5c: {  	s7 =	simm.s32 @!p0 $0x0;
	s8 =	simm.s32 @!p0 $0x1C730;
	[tilespmem:$0xC100] =	vst v0  }
0x5d: {  	[tilespmem:s8], [sflag:$0x4] =	stream.linear.gather @!p0 [hbm4b:s14+s7], $0x10, $0x38;
	[tilespmem:$0x1D380] =	vst v63  }
0x5e: {  	s8 =	simm.s32 @!p0 $0x4  }
0x5f: {  	_ =	swait.ge @!p0 [sflag:s8], $0x10  }
0x60: {  	[sflag:s8] =	ssyncset.done @!p0 $0x0  }
0x61: {  	s9 =	simm.s32 @!p0 $0x1BAB0;
	[sflag:s8] =	ssyncadd.s32 @!p0 $0xFFFFFFF0  }
0x62: {  	[tilespmem:s9], [sflag:$0x4] =	stream.linear.gather @!p0 [hbm4b:s15+s7], $0x10, $0x38;
	[tilespmem:$0x1D380] =	vst v63  }
0x63: {  	_ =	swait.ge @!p0 [sflag:s8], $0x10  }
0x64: {  	[sflag:s8] =	ssyncset.done @!p0 $0x0  }
0x65: {  	[sflag:s8] =	ssyncadd.s32 @!p0 $0xFFFFFFF0  }
0x66: {  	_ =	swait.ge [sflag:s31], $0xC30  }
0x67: {  	[sflag:s31] =	ssyncset.done $0x0  }
0x68: {  	[sflag:s31] =	ssyncadd.s32 $0xFFFFF3D0  }
0x69: {  	_ =	swait.ge [sflag:s31], $0xC30  }
0x6a: {  	[sflag:s31] =	ssyncset.done $0x0  }
0x6b: {  	s13 =	simm.s32 $0x1BB40;
	[sflag:s31] =	ssyncadd.s32 $0xFFFFF3D0  }
0x6c: {  	v3 =	vld [tilespmem:s13+$0x30]  }
0x6d: {  	v4 =	vld [tilespmem:s13+$0xFFFFFFD0]  }
0x6e: {  	v5 =	vld [tilespmem:s13+$0xFFFFFFE0]  }
0x6f: {  	v6 =	vld [tilespmem:s13+$0xFFFFFFF0]  }
0x70: {  	v7 =	vld [tilespmem:s13+$0x0]  }
0x71: {  	v8 =	vadd.s32 v1, v3  }
0x72: {  	v9 =	vadd.s32 v1, v4  }
0x73: {  	v3 =	vld [tilespmem:s13+$0xFFFFFFC0];
	v10 =	vadd.s32 v1, v5  }
0x74: {  	v4 =	vld [tilespmem:s13+$0x10];
	v11 =	vadd.s32 v1, v6  }
0x75: {  	v5 =	vld [tilespmem:s13+$0x20];
	v7 =	vadd.s32 v1, v7  }
0x76: {  	[tilespmem:v8+s4+$0x0] =	vst.idx.add.f32.msk $0xffff, v2  }
0x77: {  	[tilespmem:v9+s4+$0x0] =	vst.idx.add.f32.msk $0xffff, v2  }
0x78: {  	[tilespmem:v10+s4+$0x0] =	vst.idx.add.f32.msk $0xffff, v2  }
0x79: {  	[tilespmem:v11+s4+$0x0] =	vst.idx.add.f32.msk $0xffff, v2  }
0x7a: {  	s7 =	simm.s32 $0x1AEC0;
	[tilespmem:v7+s4+$0x0] =	vst.idx.add.f32.msk $0xffff, v2  }
0x7b: {  	v12 =	vadd.s32 v1, v3;
	v6 =	vld [tilespmem:s7+$0x30]  }
0x7c: {  	v3 =	vadd.s32 v1, v4;
	v13 =	vld [tilespmem:s7+$0xFFFFFFD0]  }
0x7d: {  	v4 =	vadd.s32 v1, v5;
	v14 =	vld [tilespmem:s7+$0xFFFFFFE0]  }
0x7e: {  	v15 =	vld [tilespmem:s7+$0xFFFFFFF0]  }
0x7f: {  	v16 =	vld [tilespmem:s7+$0x0]  }
0x80: {  	[tilespmem:v12+s4+$0x0] =	vst.idx.add.f32.msk $0xffff, v2  }
0x81: {  	[tilespmem:v3+s4+$0x0] =	vst.idx.add.f32.msk $0xffff, v2  }
0x82: {  	[tilespmem:v4+s4+$0x0] =	vst.idx.add.f32.msk $0xffff, v2  }
0x83: {  	[tilespmem:v8+s1+$0x0] =	vst.idx.add.f32.msk $0xffff, v6  }
0x84: {  	v8 =	vld [tilespmem:s7+$0xFFFFFFC0]  }
0x85: {  	v6 =	vld [tilespmem:s7+$0x10]  }
0x86: {  	v5 =	vld [tilespmem:s7+$0x20]  }
0x87: {  	[tilespmem:v9+s1+$0x0] =	vst.idx.add.f32.msk $0xffff, v13  }
0x88: {  	[tilespmem:v10+s1+$0x0] =	vst.idx.add.f32.msk $0xffff, v14  }
0x89: {  	[tilespmem:v11+s1+$0x0] =	vst.idx.add.f32.msk $0xffff, v15  }
0x8a: {  	[tilespmem:v7+s1+$0x0] =	vst.idx.add.f32.msk $0xffff, v16  }
0x8b: {  	s9 =	simm.s32 $0x1BBC0;
	s8 =	simm.s32 $0x0;
	[tilespmem:v12+s1+$0x0] =	vst.idx.add.f32.msk $0xffff, v8  }
.LBB2_4:
0x8c: {  	v7 =	vld [tilespmem:s9+$0x30];
	s8 =	sadd.s32 $0x8, s8  }
0x8d: {  	v8 =	vld [tilespmem:s9+$0xFFFFFFD0];
	p1 =	slt.u32 s8, $0xB8  }
0x8e: {  	v9 =	vld [tilespmem:s9+$0xFFFFFFE0]  }
0x8f: {  	v10 =	vld [tilespmem:s9+$0xFFFFFFF0]  }
0x90: {  	v11 =	vld [tilespmem:s9+$0x0]  }
0x91: {  	v12 =	vld [tilespmem:s9+$0x10];
	v7 =	vadd.s32 v1, v7  }
0x92: {  	v8 =	vadd.s32 v1, v8;
	v13 =	vld [tilespmem:s9+$0x20]  }
0x93: {  	v14 =	vld [tilespmem:s9+$0xFFFFFFC0];
	v9 =	vadd.s32 v1, v9  }
0x94: {  	v10 =	vadd.s32 v1, v10;
	[tilespmem:v3+s1+$0x0] =	vst.idx.add.f32.msk $0xffff, v6  }
0x95: {  	v11 =	vadd.s32 v1, v11;
	[tilespmem:v4+s1+$0x0] =	vst.idx.add.f32.msk $0xffff, v5  }
0x96: {  	s7 =	sadd.s32 $0x80, s7;
	v3 =	vadd.s32 v1, v12;
	[tilespmem:v7+s4+$0x0] =	vst.idx.add.f32.msk $0xffff, v2  }
0x97: {  	v4 =	vadd.s32 v1, v13;
	v5 =	vld [tilespmem:s7+$0x30]  }
0x98: {  	v12 =	vadd.s32 v1, v14;
	[tilespmem:v8+s4+$0x0] =	vst.idx.add.f32.msk $0xffff, v2  }
0x99: {  	[tilespmem:v9+s4+$0x0] =	vst.idx.add.f32.msk $0xffff, v2  }
0x9a: {  	[tilespmem:v10+s4+$0x0] =	vst.idx.add.f32.msk $0xffff, v2  }
0x9b: {  	[tilespmem:v11+s4+$0x0] =	vst.idx.add.f32.msk $0xffff, v2  }
0x9c: {  	s10 =	simm.s32 $0x0;
	[tilespmem:v7+s1+$0x0] =	vst.idx.add.f32.msk $0xffff, v5  }
0x9d: {  	[tilespmem:v12+s4+$0x0] =	vst.idx.add.f32.msk $0xffff, v2  }
0x9e: {  	[tilespmem:v3+s4+$0x0] =	vst.idx.add.f32.msk $0xffff, v2  }
0x9f: {  	[tilespmem:v4+s4+$0x0] =	vst.idx.add.f32.msk $0xffff, v2  }
0xa0: {  	v7 =	vld [tilespmem:s7+$0xFFFFFFC0]  }
0xa1: {  	v13 =	vld [tilespmem:s7+$0xFFFFFFD0]  }
0xa2: {  	v14 =	vld [tilespmem:s7+$0xFFFFFFE0]  }
0xa3: {  	v15 =	vld [tilespmem:s7+$0xFFFFFFF0]  }
0xa4: {  	v16 =	vld [tilespmem:s7+$0x0]  }
0xa5: {  	v6 =	vld [tilespmem:s7+$0x10]  }
0xa6: {  	v5 =	vld [tilespmem:s7+$0x20]  }
.Ltmp1:
0xa7: {  	[tilespmem:v12+s1+$0x0] =	vst.idx.add.f32.msk $0xffff, v7;
	(pc) =	sbr.rel @p1 .LBB2_4-.Ltmp1, $4  }
0xa8: {  	[tilespmem:v8+s1+$0x0] =	vst.idx.add.f32.msk $0xffff, v13  }
0xa9: {  	[tilespmem:v9+s1+$0x0] =	vst.idx.add.f32.msk $0xffff, v14  }
0xaa: {  	[tilespmem:v10+s1+$0x0] =	vst.idx.add.f32.msk $0xffff, v15  }
0xab: {  	s9 =	sadd.s32 $0x80, s9;
	[tilespmem:v11+s1+$0x0] =	vst.idx.add.f32.msk $0xffff, v16  }
0xac: {  	_ =	sdelay $0x3  }
0xad: {  	[tilespmem:v3+s1+$0x0] =	vst.idx.add.f32.msk $0xffff, v6  }
0xae: {  	[tilespmem:v4+s1+$0x0] =	vst.idx.add.f32.msk $0xffff, v5  }
.LBB2_6:
0xaf: {  	s7 =	sshra.s32 s10, $0x2  }
0xb0: {  	v3 =	vld [tilespmem:s7+$0x1C700];
	_ =	sdelay $0x4  }
0xb1: {  	v3 =	vadd.s32 v1, v3;
	_ =	sdelay $0x4  }
0xb2: {  	[tilespmem:v3+s4+$0x0] =	vst.idx.add.f32.msk $0xffff, v2  }
0xb3: {  	p1 =	sne.s32 s10, $0x80;
	v4 =	vld [tilespmem:s7+$0x1BA80]  }
.Ltmp2:
0xb4: {  	_ = 	snop;
	(pc) =	sbr.rel @p1 .LBB2_6-.Ltmp2, $2  }
0xb5: {  	_ =	sdelay $0x2  }
0xb6: {  	s10 =	sadd.s32 $0x40, s10;
	[tilespmem:v3+s1+$0x0] =	vst.idx.add.f32.msk $0xffff, v4  }
0xb7: {  	v3 =	vld @!p0 [tilespmem:$0x1C730];
	_ =	sdelay $0x1  }
0xb8: {  	v4 =	vlaneseq.u32 @!p0  }
0xb9: {  	v4 =	vmul.u32 @!p0 $0x401, v4;
	_ =	sdelay $0x1  }
0xba: {  	v3 =	vadd.s32 @!p0 v4, v3;
	_ =	sdelay $0x3  }
0xbb: {  	s7 =	simm.s32 @!p0 $0x8100;
	v4 =	vimm.f32 @!p0 $1.000000000e+00  }
0xbc: {  	[tilespmem:v3+s7+$0x0] =	vst.idx.add.f32.msk @!p0 $0xffff, v4  }
0xbd: {  	v4 =	vld @!p0 [tilespmem:$0x1BAB0];
	_ =	sdelay $0x3  }
0xbe: {  	s7 =	simm.s32 @!p0 $0x4080  }
0xbf: {  	[tilespmem:v3+s7+$0x0] =	vst.idx.add.f32.msk @!p0 $0xffff, v4;
	s7 =	simm.s32 $0x0  }
.LBB2_8:
0xc0: {  	_ =	swait.ge [sflag:s22], $0x2710  }
0xc1: {  	[sflag:s22] =	ssyncset.done $0x0  }
0xc2: {  	[sflag:s22] =	ssyncadd.s32 $0xFFFFD8F0  }
0xc3: {  	_ =	swait.ge [sflag:s22], $0x2710  }
0xc4: {  	[sflag:s22] =	ssyncset.done $0x0  }
0xc5: {  	[sflag:s22] =	ssyncadd.s32 $0xFFFFD8F0  }
0xc6: {  	_ =	swait.ge [sflag:s22], $0x2710  }
0xc7: {  	[sflag:s22] =	ssyncset.done $0x0  }
0xc8: {  	s10 =	simm.s32 $0xC200;
	[sflag:s22] =	ssyncadd.s32 $0xFFFFD8F0  }
0xc9: {  	s8 =	simm.s32 $0x11100;
	v3 =	vld [tilespmem:s10+$0x70]  }
0xca: {  	s9 =	simm.s32 $0xE980;
	v4 =	vld [tilespmem:s8+$0x70]  }
0xcb: {  	v5 =	vld [tilespmem:s9+$0x70]  }
0xcc: {  	v6 =	vld [tilespmem:s9+$0xFFFFFF80]  }
0xcd: {  	v7 =	vld [tilespmem:s10+$0xFFFFFF90]  }
0xce: {  	v8 =	vld [tilespmem:s9+$0xFFFFFF90]  }
0xcf: {  	v9 =	vld [tilespmem:s10+$0xFFFFFFA0]  }
0xd0: {  	v10 =	vld [tilespmem:s9+$0xFFFFFFA0]  }
0xd1: {  	v56 =	vld [tilespmem:s10+$0xFFFFFFB0]  }
0xd2: {  	v11 =	vld [tilespmem:s9+$0xFFFFFFB0]  }
0xd3: {  	v12 =	vld [tilespmem:s10+$0xFFFFFFC0]  }
0xd4: {  	v57 =	vld [tilespmem:s10+$0xFFFFFFD0]  }
0xd5: {  	v13 =	vld [tilespmem:s9+$0xFFFFFFD0]  }
0xd6: {  	v14 =	vld [tilespmem:s10+$0xFFFFFFE0]  }
0xd7: {  	v15 =	vld [tilespmem:s9+$0xFFFFFFE0]  }
0xd8: {  	v16 =	vld [tilespmem:s10+$0xFFFFFFF0]  }
0xd9: {  	v17 =	vld [tilespmem:s9+$0xFFFFFFF0]  }
0xda: {  	v18 =	vld [tilespmem:s10+$0x0]  }
0xdb: {  	v19 =	vld [tilespmem:s9+$0x0]  }
0xdc: {  	v20 =	vld [tilespmem:s10+$0x10]  }
0xdd: {  	v21 =	vld [tilespmem:s9+$0x10]  }
0xde: {  	v22 =	vld [tilespmem:s10+$0x20]  }
0xdf: {  	v23 =	vld [tilespmem:s9+$0x20]  }
0xe0: {  	v24 =	vld [tilespmem:s10+$0x30]  }
0xe1: {  	v25 =	vld [tilespmem:s9+$0x30]  }
0xe2: {  	v26 =	vld [tilespmem:s10+$0x40]  }
0xe3: {  	v27 =	vld [tilespmem:s8+$0xFFFFFF80]  }
0xe4: {  	v28 =	vld [tilespmem:s10+$0xFFFFFF80]  }
0xe5: {  	v29 =	vld [tilespmem:s9+$0x40]  }
0xe6: {  	v30 =	vld [tilespmem:s8+$0xFFFFFF90]  }
0xe7: {  	v31 =	vld [tilespmem:s10+$0x50]  }
0xe8: {  	v32 =	vld [tilespmem:s9+$0x50]  }
0xe9: {  	v33 =	vld [tilespmem:s10+$0x60]  }
0xea: {  	v34 =	vld [tilespmem:s8+$0xFFFFFFA0]  }
0xeb: {  	v58 =	vld [tilespmem:s8+$0xFFFFFFB0]  }
0xec: {  	v60 =	vld [tilespmem:s8+$0xFFFFFFC0]  }
0xed: {  	v61 =	vld [tilespmem:s8+$0xFFFFFFD0]  }
0xee: {  	v62 =	vld [tilespmem:s8+$0xFFFFFFE0]  }
0xef: {  	v63 =	vld [tilespmem:s8+$0xFFFFFFF0]  }
0xf0: {  	v35 =	vld [tilespmem:s8+$0x0]  }
0xf1: {  	v37 =	vld [tilespmem:s8+$0x10];
	v4 =	vadd.s32 v1, v4  }
0xf2: {  	v39 =	vld [tilespmem:s8+$0x20];
	v3 =	vsub.f32 v3, v5;
	v27 =	vadd.s32 v1, v27;
	v6 =	vsub.f32 v28, v6  }
0xf3: {  	v41 =	vld [tilespmem:s8+$0x30];
	v30 =	vadd.s32 v1, v30;
	v7 =	vsub.f32 v7, v8;
	v9 =	vsub.f32 v9, v10  }
0xf4: {  	v43 =	vld [tilespmem:s8+$0x40];
	v5 =	vsub.f32 v56, v11;
	v36 =	vadd.s32 v1, v34;
	v38 =	vsub.f32 v14, v15  }
0xf5: {  	v46 =	vld [tilespmem:s8+$0x50];
	v40 =	vsub.f32 v16, v17;
	v8 =	vadd.s32 v1, v58;
	v42 =	vsub.f32 v18, v19  }
0xf6: {  	v50 =	vld [tilespmem:s8+$0x60];
	v44 =	vsub.f32 v20, v21;
	v45 =	vadd.s32 v1, v61;
	v3 =	vmul.f32 v3, v3  }
0xf7: {  	v28 =	vld [tilespmem:s9+$0x60];
	v49 =	vadd.s32 v1, v63;
	v10 =	vadd.s32 v1, v35;
	v51 =	vsub.f32 v22, v23  }
0xf8: {  	v52 =	vadd.s32 v1, v37;
	v6 =	vmul.f32 v6, v6;
	[tilespmem:v4+s5+$0x0] =	vst.idx.add.f32.msk $0xffff, v3  }
0xf9: {  	v53 =	vadd.s32 v1, v39;
	v55 =	vadd.s32 v1, v41;
	v59 =	vmul.f32 v7, v7;
	v3 =	vld [tilespmem:s9+$0xFFFFFFC0]  }
0xfa: {  	v56 =	vadd.s32 v1, v43;
	v9 =	vmul.f32 v9, v9;
	[tilespmem:v27+s5+$0x0] =	vst.idx.add.f32.msk $0xffff, v6  }
0xfb: {  	v58 =	vadd.s32 v1, v46;
	v5 =	vmul.f32 v5, v5;
	[tilespmem:v30+s5+$0x0] =	vst.idx.add.f32.msk $0xffff, v59  }
0xfc: {  	v7 =	vadd.s32 v1, v60;
	v47 =	vmul.f32 v40, v40;
	[tilespmem:v36+s5+$0x0] =	vst.idx.add.f32.msk $0xffff, v9  }
0xfd: {  	v48 =	vmul.f32 v42, v42;
	v19 =	vmul.f32 v44, v44;
	[tilespmem:v8+s5+$0x0] =	vst.idx.add.f32.msk $0xffff, v5  }
0xfe: {  	v54 =	vmul.f32 v51, v51;
	[tilespmem:v49+s5+$0x0] =	vst.idx.add.f32.msk $0xffff, v47;
	v3 =	vsub.f32 v12, v3  }
0xff: {  	v4 =	vsub.f32 v57, v13;
	v6 =	vadd.s32 v1, v62;
	[tilespmem:v10+s5+$0x0] =	vst.idx.add.f32.msk $0xffff, v48  }
0x100: {  	v57 =	vsub.f32 v26, v29;
	[tilespmem:v52+s5+$0x0] =	vst.idx.add.f32.msk $0xffff, v19;
	v3 =	vmul.f32 v3, v3  }
0x101: {  	v59 =	vsub.f32 v31, v32;
	[tilespmem:v53+s5+$0x0] =	vst.idx.add.f32.msk $0xffff, v54;
	v4 =	vmul.f32 v4, v4  }
0x102: {  	v61 =	vmul.f32 v57, v57;
	[tilespmem:v7+s5+$0x0] =	vst.idx.add.f32.msk $0xffff, v3;
	v3 =	vsub.f32 v24, v25  }
0x103: {  	v60 =	vadd.s32 v1, v50;
	v63 =	vmul.f32 v59, v59;
	[tilespmem:v45+s5+$0x0] =	vst.idx.add.f32.msk $0xffff, v4  }
0x104: {  	v62 =	vsub.f32 v33, v28;
	[tilespmem:v56+s5+$0x0] =	vst.idx.add.f32.msk $0xffff, v61;
	v3 =	vmul.f32 v3, v3  }
0x105: {  	v13 =	vmul.f32 v38, v38;
	[tilespmem:v58+s5+$0x0] =	vst.idx.add.f32.msk $0xffff, v63  }
0x106: {  	[tilespmem:v55+s5+$0x0] =	vst.idx.add.f32.msk $0xffff, v3;
	v3 =	vmul.f32 v62, v62  }
0x107: {  	[tilespmem:v6+s5+$0x0] =	vst.idx.add.f32.msk $0xffff, v13  }
0x108: {  	s11 =	simm.s32 $0xC300;
	s10 =	simm.s32 $0x0;
	[tilespmem:v60+s5+$0x0] =	vst.idx.add.f32.msk $0xffff, v3  }
.LBB2_9:
0x109: {  	v3 =	vld [tilespmem:s11+$0x70];
	s8 =	sadd.s32 $0x100, s8  }
0x10a: {  	s10 =	sadd.s32 $0x10, s10;
	s9 =	sadd.s32 $0x100, s9;
	v4 =	vld [tilespmem:s8+$0x70]  }
0x10b: {  	p1 =	slt.u32 s10, $0x260;
	v5 =	vld [tilespmem:s9+$0x70]  }
0x10c: {  	v6 =	vld [tilespmem:s9+$0xFFFFFF80]  }
0x10d: {  	v7 =	vld [tilespmem:s11+$0xFFFFFF90]  }
0x10e: {  	v8 =	vld [tilespmem:s9+$0xFFFFFF90]  }
0x10f: {  	v9 =	vld [tilespmem:s11+$0xFFFFFFA0];
	v4 =	vadd.s32 v1, v4  }
0x110: {  	v10 =	vld [tilespmem:s9+$0xFFFFFFA0];
	v3 =	vsub.f32 v3, v5  }
0x111: {  	v5 =	vld [tilespmem:s11+$0xFFFFFFB0]  }
0x112: {  	v11 =	vld [tilespmem:s9+$0xFFFFFFB0];
	v3 =	vmul.f32 v3, v3  }
0x113: {  	v7 =	vsub.f32 v7, v8;
	v8 =	vld [tilespmem:s11+$0xFFFFFFC0]  }
0x114: {  	[tilespmem:v4+s5+$0x0] =	vst.idx.add.f32.msk $0xffff, v3  }
0x115: {  	v3 =	vmul.f32 v7, v7;
	v4 =	vsub.f32 v9, v10;
	v7 =	vld [tilespmem:s9+$0xFFFFFFC0]  }
0x116: {  	v9 =	vld [tilespmem:s11+$0xFFFFFFD0]  }
0x117: {  	v4 =	vmul.f32 v4, v4;
	v5 =	vsub.f32 v5, v11;
	v10 =	vld [tilespmem:s9+$0xFFFFFFD0]  }
0x118: {  	v11 =	vld [tilespmem:s11+$0xFFFFFFE0]  }
0x119: {  	v5 =	vmul.f32 v5, v5;
	v12 =	vld [tilespmem:s9+$0xFFFFFFE0]  }
0x11a: {  	v7 =	vsub.f32 v8, v7;
	v8 =	vld [tilespmem:s11+$0xFFFFFFF0]  }
0x11b: {  	v13 =	vld [tilespmem:s9+$0xFFFFFFF0]  }
0x11c: {  	v7 =	vmul.f32 v7, v7;
	v9 =	vsub.f32 v9, v10;
	v10 =	vld [tilespmem:s11+$0x0]  }
0x11d: {  	v14 =	vld [tilespmem:s9+$0x0]  }
0x11e: {  	v9 =	vmul.f32 v9, v9;
	v11 =	vsub.f32 v11, v12;
	v12 =	vld [tilespmem:s11+$0x10]  }
0x11f: {  	v15 =	vld [tilespmem:s9+$0x10]  }
0x120: {  	v11 =	vmul.f32 v11, v11;
	v8 =	vsub.f32 v8, v13;
	v13 =	vld [tilespmem:s11+$0x20]  }
0x121: {  	v16 =	vld [tilespmem:s9+$0x20]  }
0x122: {  	v8 =	vmul.f32 v8, v8;
	v10 =	vsub.f32 v10, v14;
	v14 =	vld [tilespmem:s11+$0x30]  }
0x123: {  	v17 =	vld [tilespmem:s9+$0x30]  }
0x124: {  	v10 =	vmul.f32 v10, v10;
	v12 =	vsub.f32 v12, v15;
	v15 =	vld [tilespmem:s11+$0x40]  }
0x125: {  	v18 =	vld [tilespmem:s9+$0x40]  }
0x126: {  	v12 =	vmul.f32 v12, v12;
	v13 =	vsub.f32 v13, v16;
	v16 =	vld [tilespmem:s11+$0x50]  }
0x127: {  	v19 =	vld [tilespmem:s9+$0x50]  }
0x128: {  	v13 =	vmul.f32 v13, v13;
	v14 =	vsub.f32 v14, v17;
	v17 =	vld [tilespmem:s11+$0x60]  }
0x129: {  	v20 =	vld [tilespmem:s9+$0x60]  }
0x12a: {  	v21 =	vld [tilespmem:s11+$0xFFFFFF80];
	v14 =	vmul.f32 v14, v14;
	v15 =	vsub.f32 v15, v18  }
0x12b: {  	v18 =	vld [tilespmem:s8+$0xFFFFFF80]  }
0x12c: {  	v22 =	vld [tilespmem:s8+$0xFFFFFF90];
	v15 =	vmul.f32 v15, v15;
	v16 =	vsub.f32 v16, v19  }
0x12d: {  	v19 =	vld [tilespmem:s8+$0xFFFFFFA0]  }
0x12e: {  	v23 =	vld [tilespmem:s8+$0xFFFFFFB0];
	v16 =	vmul.f32 v16, v16;
	v17 =	vsub.f32 v17, v20  }
0x12f: {  	v6 =	vsub.f32 v21, v6;
	v20 =	vld [tilespmem:s8+$0xFFFFFFC0]  }
0x130: {  	v18 =	vadd.s32 v1, v18;
	v21 =	vld [tilespmem:s8+$0xFFFFFFD0];
	v17 =	vmul.f32 v17, v17  }
0x131: {  	v6 =	vmul.f32 v6, v6;
	v22 =	vadd.s32 v1, v22;
	v24 =	vld [tilespmem:s8+$0xFFFFFFE0]  }
0x132: {  	v19 =	vadd.s32 v1, v19;
	v25 =	vld [tilespmem:s8+$0xFFFFFFF0]  }
0x133: {  	v23 =	vadd.s32 v1, v23;
	v26 =	vld [tilespmem:s8+$0x0]  }
0x134: {  	v20 =	vadd.s32 v1, v20;
	v27 =	vld [tilespmem:s8+$0x10]  }
0x135: {  	v21 =	vadd.s32 v1, v21;
	v28 =	vld [tilespmem:s8+$0x20]  }
0x136: {  	v24 =	vadd.s32 v1, v24;
	v29 =	vld [tilespmem:s8+$0x30]  }
0x137: {  	v25 =	vadd.s32 v1, v25;
	v30 =	vld [tilespmem:s8+$0x40]  }
0x138: {  	v26 =	vadd.s32 v1, v26;
	v31 =	vld [tilespmem:s8+$0x50]  }
0x139: {  	v27 =	vadd.s32 v1, v27;
	v32 =	vld [tilespmem:s8+$0x60]  }
0x13a: {  	[tilespmem:v18+s5+$0x0] =	vst.idx.add.f32.msk $0xffff, v6;
	v6 =	vadd.s32 v1, v28  }
0x13b: {  	[tilespmem:v22+s5+$0x0] =	vst.idx.add.f32.msk $0xffff, v3;
	v3 =	vadd.s32 v1, v29  }
0x13c: {  	[tilespmem:v19+s5+$0x0] =	vst.idx.add.f32.msk $0xffff, v4;
	v4 =	vadd.s32 v1, v30  }
0x13d: {  	[tilespmem:v23+s5+$0x0] =	vst.idx.add.f32.msk $0xffff, v5;
	v5 =	vadd.s32 v1, v31  }
0x13e: {  	[tilespmem:v20+s5+$0x0] =	vst.idx.add.f32.msk $0xffff, v7;
	v7 =	vadd.s32 v1, v32  }
0x13f: {  	[tilespmem:v21+s5+$0x0] =	vst.idx.add.f32.msk $0xffff, v9  }
0x140: {  	[tilespmem:v24+s5+$0x0] =	vst.idx.add.f32.msk $0xffff, v11  }
0x141: {  	[tilespmem:v25+s5+$0x0] =	vst.idx.add.f32.msk $0xffff, v8  }
0x142: {  	[tilespmem:v26+s5+$0x0] =	vst.idx.add.f32.msk $0xffff, v10  }
0x143: {  	[tilespmem:v27+s5+$0x0] =	vst.idx.add.f32.msk $0xffff, v12  }
.Ltmp3:
0x144: {  	[tilespmem:v6+s5+$0x0] =	vst.idx.add.f32.msk $0xffff, v13;
	(pc) =	sbr.rel @p1 .LBB2_9-.Ltmp3, $4  }
0x145: {  	[tilespmem:v3+s5+$0x0] =	vst.idx.add.f32.msk $0xffff, v14  }
0x146: {  	[tilespmem:v4+s5+$0x0] =	vst.idx.add.f32.msk $0xffff, v15  }
0x147: {  	[tilespmem:v5+s5+$0x0] =	vst.idx.add.f32.msk $0xffff, v16  }
0x148: {  	s11 =	sadd.s32 $0x100, s11;
	[tilespmem:v7+s5+$0x0] =	vst.idx.add.f32.msk $0xffff, v17  }
0x149: {  	v3 =	vld [tilespmem:$0xE880]  }
0x14a: {  	v4 =	vld [tilespmem:$0x13780]  }
0x14b: {  	v5 =	vld [tilespmem:$0x11000];
	_ =	sdelay $0x3  }
0x14c: {  	p1 =	seq.s32 s7, $0x9;
	v4 =	vadd.s32 v1, v4  }
0x14d: {  	s8 =	smul.u32 @!p1 $0x4E20, s7;
	v3 =	vsub.f32 v3, v5;
	_ =	sdelay $0x1  }
0x14e: {  	s8 =	sadd.s32 @!p1 s8, s16;
	v3 =	vmul.f32 v3, v3  }
0x14f: {  	s8 =	sshrl.u32 @!p1 s8, $0x3  }
0x150: {  	s10 =	simm.s32 @!p1 $0x0;
	s11 =	simm.s32 @!p1 $0xC180;
	s9 =	sadd.s32 @!p1 s2, s8;
	[tilespmem:v4+s5+$0x0] =	vst.idx.add.f32.msk $0xffff, v3  }
0x151: {  	[tilespmem:s11], [sflag:$0x1] =	stream.linear.gather @!p1 [hbm4b:s9+s10], $0x2710, $0x38;
	[tilespmem:$0x1D380] =	vst v63  }
0x152: {  	s9 =	sadd.s32 @!p1 s3, s8;
	s11 =	simm.s32 @!p1 $0xE900  }
0x153: {  	[tilespmem:s11], [sflag:$0x1] =	stream.linear.gather @!p1 [hbm4b:s9+s10], $0x2710, $0x38;
	[tilespmem:$0x1D380] =	vst v63  }
0x154: {  	s8 =	sadd.s32 @!p1 s0, s8;
	s9 =	simm.s32 @!p1 $0x11080  }
0x155: {  	[tilespmem:s9], [sflag:$0x1] =	stream.linear.gather @!p1 [hbm4b:s8+s10], $0x2710, $0x38;
	[tilespmem:$0x1D380] =	vst v63  }
0x156: {  	_ =	swait.ge [sflag:s23], $0x2710  }
0x157: {  	[sflag:s23] =	ssyncset.done $0x0  }
0x158: {  	[sflag:s23] =	ssyncadd.s32 $0xFFFFD8F0  }
0x159: {  	_ =	swait.ge [sflag:s23], $0x2710  }
0x15a: {  	[sflag:s23] =	ssyncset.done $0x0  }
0x15b: {  	[sflag:s23] =	ssyncadd.s32 $0xFFFFD8F0  }
0x15c: {  	_ =	swait.ge [sflag:s23], $0x2710  }
0x15d: {  	[sflag:s23] =	ssyncset.done $0x0  }
0x15e: {  	s13 =	simm.s32 $0x13880;
	[sflag:s23] =	ssyncadd.s32 $0xFFFFD8F0  }
0x15f: {  	s8 =	simm.s32 $0x18780;
	v3 =	vld [tilespmem:s13+$0x70]  }
0x160: {  	s9 =	simm.s32 $0x16000;
	v54 =	vld [tilespmem:s8+$0x70]  }
0x161: {  	v55 =	vld [tilespmem:s9+$0x70]  }
0x162: {  	v6 =	vld [tilespmem:s9+$0xFFFFFF80]  }
0x163: {  	v7 =	vld [tilespmem:s13+$0xFFFFFF90]  }
0x164: {  	v8 =	vld [tilespmem:s9+$0xFFFFFF90]  }
0x165: {  	v9 =	vld [tilespmem:s13+$0xFFFFFFA0]  }
0x166: {  	v10 =	vld [tilespmem:s9+$0xFFFFFFA0]  }
0x167: {  	v56 =	vld [tilespmem:s13+$0xFFFFFFB0]  }
0x168: {  	v11 =	vld [tilespmem:s9+$0xFFFFFFB0]  }
0x169: {  	v12 =	vld [tilespmem:s13+$0xFFFFFFC0]  }
0x16a: {  	v57 =	vld [tilespmem:s13+$0xFFFFFFD0]  }
0x16b: {  	v13 =	vld [tilespmem:s9+$0xFFFFFFD0]  }
0x16c: {  	v14 =	vld [tilespmem:s13+$0xFFFFFFE0]  }
0x16d: {  	v15 =	vld [tilespmem:s9+$0xFFFFFFE0]  }
0x16e: {  	v16 =	vld [tilespmem:s13+$0xFFFFFFF0]  }
0x16f: {  	v17 =	vld [tilespmem:s9+$0xFFFFFFF0]  }
0x170: {  	v18 =	vld [tilespmem:s13+$0x0]  }
0x171: {  	v19 =	vld [tilespmem:s9+$0x0]  }
0x172: {  	v20 =	vld [tilespmem:s13+$0x10]  }
0x173: {  	v21 =	vld [tilespmem:s9+$0x10]  }
0x174: {  	v22 =	vld [tilespmem:s13+$0x20]  }
0x175: {  	v23 =	vld [tilespmem:s9+$0x20]  }
0x176: {  	v24 =	vld [tilespmem:s13+$0x30]  }
0x177: {  	v25 =	vld [tilespmem:s9+$0x30]  }
0x178: {  	v26 =	vld [tilespmem:s13+$0x40]  }
0x179: {  	v27 =	vld [tilespmem:s8+$0xFFFFFF80]  }
0x17a: {  	v28 =	vld [tilespmem:s13+$0xFFFFFF80]  }
0x17b: {  	v29 =	vld [tilespmem:s9+$0x40]  }
0x17c: {  	v30 =	vld [tilespmem:s8+$0xFFFFFF90]  }
0x17d: {  	v31 =	vld [tilespmem:s13+$0x50]  }
0x17e: {  	v32 =	vld [tilespmem:s9+$0x50]  }
0x17f: {  	v33 =	vld [tilespmem:s13+$0x60]  }
0x180: {  	v34 =	vld [tilespmem:s8+$0xFFFFFFA0]  }
0x181: {  	v58 =	vld [tilespmem:s8+$0xFFFFFFB0]  }
0x182: {  	v60 =	vld [tilespmem:s8+$0xFFFFFFC0]  }
0x183: {  	v61 =	vld [tilespmem:s8+$0xFFFFFFD0]  }
0x184: {  	v62 =	vld [tilespmem:s8+$0xFFFFFFE0]  }
0x185: {  	v63 =	vld [tilespmem:s8+$0xFFFFFFF0]  }
0x186: {  	v35 =	vld [tilespmem:s8+$0x0]  }
0x187: {  	v37 =	vld [tilespmem:s8+$0x10];
	v4 =	vadd.s32 v1, v54  }
0x188: {  	v39 =	vld [tilespmem:s8+$0x20];
	v3 =	vsub.f32 v3, v55;
	v27 =	vadd.s32 v1, v27;
	v6 =	vsub.f32 v28, v6  }
0x189: {  	v41 =	vld [tilespmem:s8+$0x30];
	v30 =	vadd.s32 v1, v30;
	v7 =	vsub.f32 v7, v8;
	v9 =	vsub.f32 v9, v10  }
0x18a: {  	v43 =	vld [tilespmem:s8+$0x40];
	v5 =	vsub.f32 v56, v11;
	v36 =	vadd.s32 v1, v34;
	v38 =	vsub.f32 v14, v15  }
0x18b: {  	v46 =	vld [tilespmem:s8+$0x50];
	v40 =	vsub.f32 v16, v17;
	v8 =	vadd.s32 v1, v58;
	v42 =	vsub.f32 v18, v19  }
0x18c: {  	v50 =	vld [tilespmem:s8+$0x60];
	v44 =	vsub.f32 v20, v21;
	v45 =	vadd.s32 v1, v61;
	v3 =	vmul.f32 v3, v3  }
0x18d: {  	v28 =	vld [tilespmem:s9+$0x60];
	v49 =	vadd.s32 v1, v63;
	v10 =	vadd.s32 v1, v35;
	v51 =	vsub.f32 v22, v23  }
0x18e: {  	v52 =	vadd.s32 v1, v37;
	v6 =	vmul.f32 v6, v6;
	[tilespmem:v4+s5+$0x0] =	vst.idx.add.f32.msk $0xffff, v3  }
0x18f: {  	v53 =	vadd.s32 v1, v39;
	v55 =	vadd.s32 v1, v41;
	v59 =	vmul.f32 v7, v7;
	v3 =	vld [tilespmem:s9+$0xFFFFFFC0]  }
0x190: {  	v56 =	vadd.s32 v1, v43;
	v9 =	vmul.f32 v9, v9;
	[tilespmem:v27+s5+$0x0] =	vst.idx.add.f32.msk $0xffff, v6  }
0x191: {  	v58 =	vadd.s32 v1, v46;
	v5 =	vmul.f32 v5, v5;
	[tilespmem:v30+s5+$0x0] =	vst.idx.add.f32.msk $0xffff, v59  }
0x192: {  	v7 =	vadd.s32 v1, v60;
	v47 =	vmul.f32 v40, v40;
	[tilespmem:v36+s5+$0x0] =	vst.idx.add.f32.msk $0xffff, v9  }
0x193: {  	v48 =	vmul.f32 v42, v42;
	v19 =	vmul.f32 v44, v44;
	[tilespmem:v8+s5+$0x0] =	vst.idx.add.f32.msk $0xffff, v5  }
0x194: {  	v54 =	vmul.f32 v51, v51;
	[tilespmem:v49+s5+$0x0] =	vst.idx.add.f32.msk $0xffff, v47;
	v3 =	vsub.f32 v12, v3  }
0x195: {  	v4 =	vsub.f32 v57, v13;
	v6 =	vadd.s32 v1, v62;
	[tilespmem:v10+s5+$0x0] =	vst.idx.add.f32.msk $0xffff, v48  }
0x196: {  	v57 =	vsub.f32 v26, v29;
	[tilespmem:v52+s5+$0x0] =	vst.idx.add.f32.msk $0xffff, v19;
	v3 =	vmul.f32 v3, v3  }
0x197: {  	v59 =	vsub.f32 v31, v32;
	[tilespmem:v53+s5+$0x0] =	vst.idx.add.f32.msk $0xffff, v54;
	v4 =	vmul.f32 v4, v4  }
0x198: {  	v61 =	vmul.f32 v57, v57;
	[tilespmem:v7+s5+$0x0] =	vst.idx.add.f32.msk $0xffff, v3;
	v3 =	vsub.f32 v24, v25  }
0x199: {  	v60 =	vadd.s32 v1, v50;
	v63 =	vmul.f32 v59, v59;
	[tilespmem:v45+s5+$0x0] =	vst.idx.add.f32.msk $0xffff, v4  }
0x19a: {  	v62 =	vsub.f32 v33, v28;
	[tilespmem:v56+s5+$0x0] =	vst.idx.add.f32.msk $0xffff, v61;
	v3 =	vmul.f32 v3, v3  }
0x19b: {  	v13 =	vmul.f32 v38, v38;
	[tilespmem:v58+s5+$0x0] =	vst.idx.add.f32.msk $0xffff, v63  }
0x19c: {  	[tilespmem:v55+s5+$0x0] =	vst.idx.add.f32.msk $0xffff, v3;
	v3 =	vmul.f32 v62, v62  }
0x19d: {  	[tilespmem:v6+s5+$0x0] =	vst.idx.add.f32.msk $0xffff, v13  }
0x19e: {  	s11 =	simm.s32 $0x13980;
	s10 =	simm.s32 $0x0;
	[tilespmem:v60+s5+$0x0] =	vst.idx.add.f32.msk $0xffff, v3  }
.LBB2_11:
0x19f: {  	v3 =	vld [tilespmem:s11+$0x70];
	s8 =	sadd.s32 $0x100, s8  }
0x1a0: {  	s10 =	sadd.s32 $0x10, s10;
	s9 =	sadd.s32 $0x100, s9;
	v4 =	vld [tilespmem:s8+$0x70]  }
0x1a1: {  	p2 =	slt.u32 s10, $0x260;
	v5 =	vld [tilespmem:s9+$0x70]  }
0x1a2: {  	v6 =	vld [tilespmem:s9+$0xFFFFFF80]  }
0x1a3: {  	v7 =	vld [tilespmem:s11+$0xFFFFFF90]  }
0x1a4: {  	v8 =	vld [tilespmem:s9+$0xFFFFFF90]  }
0x1a5: {  	v9 =	vld [tilespmem:s11+$0xFFFFFFA0];
	v4 =	vadd.s32 v1, v4  }
0x1a6: {  	v10 =	vld [tilespmem:s9+$0xFFFFFFA0];
	v3 =	vsub.f32 v3, v5  }
0x1a7: {  	v5 =	vld [tilespmem:s11+$0xFFFFFFB0]  }
0x1a8: {  	v11 =	vld [tilespmem:s9+$0xFFFFFFB0];
	v3 =	vmul.f32 v3, v3  }
0x1a9: {  	v7 =	vsub.f32 v7, v8;
	v8 =	vld [tilespmem:s11+$0xFFFFFFC0]  }
0x1aa: {  	[tilespmem:v4+s5+$0x0] =	vst.idx.add.f32.msk $0xffff, v3  }
0x1ab: {  	v3 =	vmul.f32 v7, v7;
	v4 =	vsub.f32 v9, v10;
	v7 =	vld [tilespmem:s9+$0xFFFFFFC0]  }
0x1ac: {  	v9 =	vld [tilespmem:s11+$0xFFFFFFD0]  }
0x1ad: {  	v4 =	vmul.f32 v4, v4;
	v5 =	vsub.f32 v5, v11;
	v10 =	vld [tilespmem:s9+$0xFFFFFFD0]  }
0x1ae: {  	v11 =	vld [tilespmem:s11+$0xFFFFFFE0]  }
0x1af: {  	v5 =	vmul.f32 v5, v5;
	v12 =	vld [tilespmem:s9+$0xFFFFFFE0]  }
0x1b0: {  	v7 =	vsub.f32 v8, v7;
	v8 =	vld [tilespmem:s11+$0xFFFFFFF0]  }
0x1b1: {  	v13 =	vld [tilespmem:s9+$0xFFFFFFF0]  }
0x1b2: {  	v7 =	vmul.f32 v7, v7;
	v9 =	vsub.f32 v9, v10;
	v10 =	vld [tilespmem:s11+$0x0]  }
0x1b3: {  	v14 =	vld [tilespmem:s9+$0x0]  }
0x1b4: {  	v9 =	vmul.f32 v9, v9;
	v11 =	vsub.f32 v11, v12;
	v12 =	vld [tilespmem:s11+$0x10]  }
0x1b5: {  	v15 =	vld [tilespmem:s9+$0x10]  }
0x1b6: {  	v11 =	vmul.f32 v11, v11;
	v8 =	vsub.f32 v8, v13;
	v13 =	vld [tilespmem:s11+$0x20]  }
0x1b7: {  	v16 =	vld [tilespmem:s9+$0x20]  }
0x1b8: {  	v8 =	vmul.f32 v8, v8;
	v10 =	vsub.f32 v10, v14;
	v14 =	vld [tilespmem:s11+$0x30]  }
0x1b9: {  	v17 =	vld [tilespmem:s9+$0x30]  }
0x1ba: {  	v10 =	vmul.f32 v10, v10;
	v12 =	vsub.f32 v12, v15;
	v15 =	vld [tilespmem:s11+$0x40]  }
0x1bb: {  	v18 =	vld [tilespmem:s9+$0x40]  }
0x1bc: {  	v12 =	vmul.f32 v12, v12;
	v13 =	vsub.f32 v13, v16;
	v16 =	vld [tilespmem:s11+$0x50]  }
0x1bd: {  	v19 =	vld [tilespmem:s9+$0x50]  }
0x1be: {  	v13 =	vmul.f32 v13, v13;
	v14 =	vsub.f32 v14, v17;
	v17 =	vld [tilespmem:s11+$0x60]  }
0x1bf: {  	v20 =	vld [tilespmem:s9+$0x60]  }
0x1c0: {  	v21 =	vld [tilespmem:s11+$0xFFFFFF80];
	v14 =	vmul.f32 v14, v14;
	v15 =	vsub.f32 v15, v18  }
0x1c1: {  	v18 =	vld [tilespmem:s8+$0xFFFFFF80]  }
0x1c2: {  	v22 =	vld [tilespmem:s8+$0xFFFFFF90];
	v15 =	vmul.f32 v15, v15;
	v16 =	vsub.f32 v16, v19  }
0x1c3: {  	v19 =	vld [tilespmem:s8+$0xFFFFFFA0]  }
0x1c4: {  	v23 =	vld [tilespmem:s8+$0xFFFFFFB0];
	v16 =	vmul.f32 v16, v16;
	v17 =	vsub.f32 v17, v20  }
0x1c5: {  	v6 =	vsub.f32 v21, v6;
	v20 =	vld [tilespmem:s8+$0xFFFFFFC0]  }
0x1c6: {  	v18 =	vadd.s32 v1, v18;
	v21 =	vld [tilespmem:s8+$0xFFFFFFD0];
	v17 =	vmul.f32 v17, v17  }
0x1c7: {  	v6 =	vmul.f32 v6, v6;
	v22 =	vadd.s32 v1, v22;
	v24 =	vld [tilespmem:s8+$0xFFFFFFE0]  }
0x1c8: {  	v19 =	vadd.s32 v1, v19;
	v25 =	vld [tilespmem:s8+$0xFFFFFFF0]  }
0x1c9: {  	v23 =	vadd.s32 v1, v23;
	v26 =	vld [tilespmem:s8+$0x0]  }
0x1ca: {  	v20 =	vadd.s32 v1, v20;
	v27 =	vld [tilespmem:s8+$0x10]  }
0x1cb: {  	v21 =	vadd.s32 v1, v21;
	v28 =	vld [tilespmem:s8+$0x20]  }
0x1cc: {  	v24 =	vadd.s32 v1, v24;
	v29 =	vld [tilespmem:s8+$0x30]  }
0x1cd: {  	v25 =	vadd.s32 v1, v25;
	v30 =	vld [tilespmem:s8+$0x40]  }
0x1ce: {  	v26 =	vadd.s32 v1, v26;
	v31 =	vld [tilespmem:s8+$0x50]  }
0x1cf: {  	v27 =	vadd.s32 v1, v27;
	v32 =	vld [tilespmem:s8+$0x60]  }
0x1d0: {  	[tilespmem:v18+s5+$0x0] =	vst.idx.add.f32.msk $0xffff, v6;
	v6 =	vadd.s32 v1, v28  }
0x1d1: {  	[tilespmem:v22+s5+$0x0] =	vst.idx.add.f32.msk $0xffff, v3;
	v3 =	vadd.s32 v1, v29  }
0x1d2: {  	[tilespmem:v19+s5+$0x0] =	vst.idx.add.f32.msk $0xffff, v4;
	v4 =	vadd.s32 v1, v30  }
0x1d3: {  	[tilespmem:v23+s5+$0x0] =	vst.idx.add.f32.msk $0xffff, v5;
	v5 =	vadd.s32 v1, v31  }
0x1d4: {  	[tilespmem:v20+s5+$0x0] =	vst.idx.add.f32.msk $0xffff, v7;
	v7 =	vadd.s32 v1, v32  }
0x1d5: {  	[tilespmem:v21+s5+$0x0] =	vst.idx.add.f32.msk $0xffff, v9  }
0x1d6: {  	[tilespmem:v24+s5+$0x0] =	vst.idx.add.f32.msk $0xffff, v11  }
0x1d7: {  	[tilespmem:v25+s5+$0x0] =	vst.idx.add.f32.msk $0xffff, v8  }
0x1d8: {  	[tilespmem:v26+s5+$0x0] =	vst.idx.add.f32.msk $0xffff, v10  }
0x1d9: {  	[tilespmem:v27+s5+$0x0] =	vst.idx.add.f32.msk $0xffff, v12  }
.Ltmp4:
0x1da: {  	[tilespmem:v6+s5+$0x0] =	vst.idx.add.f32.msk $0xffff, v13;
	(pc) =	sbr.rel @p2 .LBB2_11-.Ltmp4, $4  }
0x1db: {  	[tilespmem:v3+s5+$0x0] =	vst.idx.add.f32.msk $0xffff, v14  }
0x1dc: {  	[tilespmem:v4+s5+$0x0] =	vst.idx.add.f32.msk $0xffff, v15  }
0x1dd: {  	[tilespmem:v5+s5+$0x0] =	vst.idx.add.f32.msk $0xffff, v16  }
0x1de: {  	s11 =	sadd.s32 $0x100, s11;
	[tilespmem:v7+s5+$0x0] =	vst.idx.add.f32.msk $0xffff, v17  }
0x1df: {  	v3 =	vld [tilespmem:$0x15F00]  }
0x1e0: {  	v4 =	vld [tilespmem:$0x1AE00]  }
0x1e1: {  	v5 =	vld [tilespmem:$0x18680];
	_ =	sdelay $0x3  }
0x1e2: {  	v4 =	vadd.s32 v1, v4  }
.Ltmp5:
0x1e3: {  	v3 =	vsub.f32 v3, v5;
	(pc) =	sbr.rel @p1 .LBB2_13-.Ltmp5, $3  }
0x1e4: {  	_ = 	snop  }
0x1e5: {  	v3 =	vmul.f32 v3, v3;
	_ =	sdelay $0x1  }
0x1e6: {  	[tilespmem:v4+s5+$0x0] =	vst.idx.add.f32.msk $0xffff, v3  }
0x1e7: {  	s8 =	smul.u32 $0x4E20, s7;
	_ =	sdelay $0x1  }
0x1e8: {  	s8 =	sadd.s32 s8, s17  }
0x1e9: {  	s8 =	sshrl.u32 s8, $0x3  }
0x1ea: {  	s9 =	sadd.s32 s2, s8  }
0x1eb: {  	[tilespmem:s25], [sflag:$0x2] =	stream.linear.gather [hbm4b:s9+s5], $0x2710, $0x38;
	[tilespmem:$0x1D380] =	vst v63  }
.Ltmp6:
0x1ec: {  	_ = 	snop;
	(pc) =	sbr.rel .LBB2_8-.Ltmp6, $4  }
0x1ed: {  	s13 =	sadd.s32 s3, s8  }
0x1ee: {  	[tilespmem:s26], [sflag:$0x2] =	stream.linear.gather [hbm4b:s13+s5], $0x2710, $0x38;
	[tilespmem:$0x1D380] =	vst v63  }
0x1ef: {  	s7 =	sadd.s32 $0x1, s7;
	s8 =	sadd.s32 s0, s8  }
0x1f0: {  	[tilespmem:s28], [sflag:$0x2] =	stream.linear.gather [hbm4b:s8+s5], $0x2710, $0x38;
	[tilespmem:$0x1D380] =	vst v63  }
.LBB2_13:
0x1f1: {  	s12 =	simm.s32 $0x2008  }
0x1f2: {  	v3 =	vld [tilespmem:s12+$0x1C17]  }
0x1f3: {  	v4 =	vld [tilespmem:s12+$0x1816]  }
0x1f4: {  	v5 =	vld [tilespmem:s12+$0x1415]  }
0x1f5: {  	v6 =	vld [tilespmem:s12+$0x1014]  }
0x1f6: {  	v7 =	vld [tilespmem:s12+$0xC13]  }
0x1f7: {  	v8 =	vld [tilespmem:s12+$0x812]  }
0x1f8: {  	v9 =	vld [tilespmem:s12+$0x411]  }
0x1f9: {  	v10 =	vld [tilespmem:s12+$0x10]  }
0x1fa: {  	v11 =	vld [tilespmem:s12+$0xFFFFFC0F]  }
0x1fb: {  	v12 =	vld [tilespmem:s12+$0xFFFFF80E]  }
0x1fc: {  	v13 =	vld [tilespmem:s12+$0xFFFFF40D]  }
0x1fd: {  	v14 =	vld [tilespmem:s12+$0xFFFFF00C]  }
0x1fe: {  	v15 =	vld [tilespmem:s12+$0xFFFFEC0B]  }
0x1ff: {  	v16 =	vld [tilespmem:s12+$0xFFFFE80A]  }
0x200: {  	v17 =	vld [tilespmem:s12+$0xFFFFE409]  }
0x201: {  	s10 =	simm.s32 $0x6088;
	v18 =	vld [tilespmem:s12+$0xFFFFE008]  }
0x202: {  	s11 =	simm.s32 $0xA108;
	v19 =	vld [tilespmem:s10+$0xFFFFE008]  }
0x203: {  	v20 =	vld [tilespmem:s11+$0xFFFFE008]  }
0x204: {  	v21 =	vld [tilespmem:s10+$0xFFFFE409]  }
0x205: {  	v22 =	vld [tilespmem:s11+$0xFFFFE409]  }
0x206: {  	v23 =	vld [tilespmem:s10+$0xFFFFE80A]  }
0x207: {  	v24 =	vld [tilespmem:s11+$0xFFFFE80A]  }
0x208: {  	v25 =	vld [tilespmem:s10+$0xFFFFEC0B]  }
0x209: {  	v26 =	vld [tilespmem:s11+$0xFFFFEC0B]  }
0x20a: {  	v27 =	vld [tilespmem:s10+$0xFFFFF00C]  }
0x20b: {  	v28 =	vld [tilespmem:s11+$0xFFFFF00C]  }
0x20c: {  	v29 =	vld [tilespmem:s10+$0xFFFFF40D]  }
0x20d: {  	v30 =	vld [tilespmem:s11+$0xFFFFF40D]  }
0x20e: {  	v31 =	vld [tilespmem:s10+$0xFFFFF80E]  }
0x20f: {  	v32 =	vld [tilespmem:s11+$0xFFFFF80E]  }
0x210: {  	v33 =	vld [tilespmem:s10+$0xFFFFFC0F]  }
0x211: {  	v34 =	vld [tilespmem:s11+$0xFFFFFC0F]  }
0x212: {  	v35 =	vld [tilespmem:s10+$0x10]  }
0x213: {  	v36 =	vld [tilespmem:s11+$0x10]  }
0x214: {  	v37 =	vld [tilespmem:s10+$0x411]  }
0x215: {  	v38 =	vld [tilespmem:s11+$0x411]  }
0x216: {  	v39 =	vld [tilespmem:s10+$0x812]  }
0x217: {  	v40 =	vld [tilespmem:s11+$0x812]  }
0x218: {  	v41 =	vld [tilespmem:s10+$0xC13]  }
0x219: {  	v42 =	vld [tilespmem:s11+$0xC13]  }
0x21a: {  	v43 =	vld [tilespmem:s10+$0x1014]  }
0x21b: {  	v44 =	vld [tilespmem:s11+$0x1014]  }
0x21c: {  	v45 =	vld [tilespmem:s10+$0x1415]  }
0x21d: {  	v46 =	vld [tilespmem:s11+$0x1415]  }
0x21e: {  	v47 =	vld [tilespmem:s10+$0x1816]  }
0x21f: {  	v48 =	vld [tilespmem:s11+$0x1816]  }
0x220: {  	v51 =	vld [tilespmem:s10+$0xFFFFDFF8];
	v18 =	vadd.f32 $0.0e+00, v18  }
0x221: {  	v52 =	vld [tilespmem:s11+$0xFFFFDFF8]  }
0x222: {  	v53 =	vld [tilespmem:s12+$0xFFFFDFF8];
	v17 =	vadd.f32 v17, v18  }
0x223: {  	v54 =	vld [tilespmem:s12+$0xFFFFE3F9];
	v19 =	vadd.f32 $0.0e+00, v19;
	v20 =	vadd.f32 $0.0e+00, v20  }
0x224: {  	v55 =	vld [tilespmem:s10+$0xFFFFE3F9];
	v16 =	vadd.f32 v16, v17  }
0x225: {  	v56 =	vld [tilespmem:s11+$0xFFFFE3F9];
	v19 =	vadd.f32 v21, v19;
	v20 =	vadd.f32 v22, v20  }
0x226: {  	v57 =	vld [tilespmem:s12+$0xFFFFE7FA];
	v15 =	vadd.f32 v15, v16  }
0x227: {  	v58 =	vld [tilespmem:s10+$0xFFFFE7FA];
	v19 =	vadd.f32 v23, v19;
	v20 =	vadd.f32 v24, v20  }
0x228: {  	v59 =	vld [tilespmem:s11+$0xFFFFE7FA];
	v14 =	vadd.f32 v14, v15  }
0x229: {  	v60 =	vld [tilespmem:s12+$0xFFFFEBFB];
	v19 =	vadd.f32 v25, v19;
	v20 =	vadd.f32 v26, v20  }
0x22a: {  	v61 =	vld [tilespmem:s10+$0xFFFFEBFB];
	v13 =	vadd.f32 v13, v14  }
0x22b: {  	v62 =	vld [tilespmem:s11+$0xFFFFEBFB];
	v19 =	vadd.f32 v27, v19;
	v20 =	vadd.f32 v28, v20  }
0x22c: {  	v63 =	vld [tilespmem:s10+$0xFFFFEFFC];
	v22 =	vadd.f32 $0.0e+00, v52;
	v12 =	vadd.f32 v12, v13  }
0x22d: {  	v49 =	vld [tilespmem:s11+$0xFFFFFBFF];
	v19 =	vadd.f32 v29, v19;
	v20 =	vadd.f32 v30, v20  }
0x22e: {  	v50 =	vld [tilespmem:s12+$0x0];
	v17 =	vadd.f32 $0.0e+00, v51;
	v11 =	vadd.f32 v11, v12  }
0x22f: {  	v18 =	vld [tilespmem:s10+$0x1C17];
	v19 =	vadd.f32 v31, v19;
	v20 =	vadd.f32 v32, v20  }
0x230: {  	v21 =	vld [tilespmem:s11+$0x1C17];
	v16 =	vadd.f32 $0.0e+00, v53;
	v10 =	vadd.f32 v10, v11  }
0x231: {  	v52 =	vld [tilespmem:s11+$0x0];
	v19 =	vadd.f32 v33, v19;
	v20 =	vadd.f32 v34, v20  }
0x232: {  	v51 =	vld [tilespmem:s10+$0x0];
	v16 =	vadd.f32 v54, v16;
	v9 =	vadd.f32 v9, v10  }
0x233: {  	v53 =	vld [tilespmem:s12+$0x401];
	v19 =	vadd.f32 v35, v19;
	v20 =	vadd.f32 v36, v20  }
0x234: {  	v54 =	vld [tilespmem:s11+$0x401];
	v14 =	vadd.f32 v57, v16;
	v8 =	vadd.f32 v8, v9  }
0x235: {  	v11 =	vld [tilespmem:s12+$0xFFFFEFFC];
	v19 =	vadd.f32 v37, v19;
	v20 =	vadd.f32 v38, v20  }
0x236: {  	v57 =	vld [tilespmem:s11+$0xC03];
	v14 =	vadd.f32 v60, v14;
	v7 =	vadd.f32 v7, v8  }
0x237: {  	v36 =	vld [tilespmem:s12+$0xFFFFF3FD];
	v19 =	vadd.f32 v39, v19;
	v20 =	vadd.f32 v40, v20  }
0x238: {  	v10 =	vld [tilespmem:s11+$0xFFFFEFFC];
	v6 =	vadd.f32 v6, v7;
	v7 =	vadd.f32 v55, v17  }
0x239: {  	v37 =	vld [tilespmem:s11+$0xFFFFF3FD];
	v20 =	vadd.f32 v42, v20;
	v42 =	vadd.f32 v56, v22  }
0x23a: {  	v38 =	vld [tilespmem:s10+$0xFFFFF7FE];
	v11 =	vadd.f32 v11, v14;
	v7 =	vadd.f32 v58, v7  }
0x23b: {  	v9 =	vld [tilespmem:s10+$0xFFFFF3FD];
	v19 =	vadd.f32 v41, v19;
	v13 =	vadd.f32 v59, v42  }
0x23c: {  	v8 =	vld [tilespmem:s12+$0xFFFFF7FE];
	v11 =	vadd.f32 v36, v11;
	v7 =	vadd.f32 v61, v7  }
0x23d: {  	v39 =	vld [tilespmem:s11+$0xFFFFF7FE];
	v19 =	vadd.f32 v43, v19;
	v13 =	vadd.f32 v62, v13  }
0x23e: {  	v40 =	vld [tilespmem:s12+$0xFFFFFBFF];
	v5 =	vadd.f32 v5, v6;
	v6 =	vadd.f32 v63, v7  }
0x23f: {  	v41 =	vld [tilespmem:s10+$0xFFFFFBFF];
	v20 =	vadd.f32 v44, v20;
	v10 =	vadd.f32 v10, v13  }
0x240: {  	v60 =	vld [tilespmem:s10+$0x1004];
	v19 =	vadd.f32 v45, v19;
	v6 =	vadd.f32 v9, v6  }
0x241: {  	v56 =	vld [tilespmem:s12+$0xC03];
	v8 =	vadd.f32 v8, v11;
	v10 =	vadd.f32 v37, v10  }
0x242: {  	v55 =	vld [tilespmem:s11+$0x802];
	v20 =	vadd.f32 v46, v20;
	v6 =	vadd.f32 v38, v6  }
0x243: {  	v8 =	vadd.f32 v40, v8;
	v7 =	vld [tilespmem:s10+$0x401];
	v10 =	vadd.f32 v39, v10  }
0x244: {  	v4 =	vadd.f32 v4, v5;
	v9 =	vld [tilespmem:s12+$0x802];
	v5 =	vadd.f32 v41, v6  }
0x245: {  	v11 =	vld [tilespmem:s10+$0x802];
	v8 =	vadd.f32 v50, v8;
	v10 =	vadd.f32 v49, v10  }
0x246: {  	v59 =	vld [tilespmem:s12+$0x1004];
	v58 =	vadd.f32 v47, v19;
	v5 =	vadd.f32 v51, v5  }
0x247: {  	v8 =	vadd.f32 v53, v8;
	v6 =	vld [tilespmem:s10+$0xC03];
	v10 =	vadd.f32 v52, v10  }
0x248: {  	v61 =	vadd.f32 v48, v20;
	v63 =	vld [tilespmem:s12+$0x1806];
	v5 =	vadd.f32 v7, v5  }
0x249: {  	v8 =	vadd.f32 v9, v8;
	v9 =	vld [tilespmem:s12+$0x1405];
	v10 =	vadd.f32 v54, v10  }
0x24a: {  	v3 =	vadd.f32 v3, v4;
	v7 =	vld [tilespmem:s11+$0x1004];
	v4 =	vadd.f32 v11, v5  }
0x24b: {  	v8 =	vadd.f32 v56, v8;
	v11 =	vld [tilespmem:s10+$0x1405];
	v5 =	vadd.f32 v55, v10  }
0x24c: {  	v62 =	vadd.f32 v18, v58;
	v10 =	vld [tilespmem:s11+$0x1405];
	v6 =	vadd.f32 v6, v4  }
0x24d: {  	v8 =	vadd.f32 v59, v8;
	v15 =	vadd.f32 v57, v5;
	v4 =	vld [tilespmem:s10+$0x1806]  }
0x24e: {  	s7 =	simm.s32 $0x1C790;
	v14 =	vadd.f32 v21, v61;
	v5 =	vld [tilespmem:s11+$0x1806];
	v12 =	vadd.f32 v60, v6  }
0x24f: {  	s8 =	simm.s32 $0x1CB90;
	[tilespmem:s7+$0x0] =	vst v3;
	v8 =	vadd.f32 v9, v8;
	v3 =	vadd.f32 v7, v15;
	v6 =	vld [tilespmem:s12+$0x1C07]  }
0x250: {  	s9 =	simm.s32 $0x1CF90;
	[tilespmem:s8+$0x0] =	vst v62;
	v7 =	vld [tilespmem:s10+$0x1C07];
	v9 =	vadd.f32 v11, v12  }
0x251: {  	s13 =	simm.s32 $0x2028;
	[tilespmem:s9+$0x0] =	vst v14;
	s12 =	simm.s32 $0x0;
	v10 =	vadd.f32 v10, v3;
	v11 =	vadd.f32 v63, v8;
	v8 =	vld [tilespmem:s11+$0x1C07]  }
.LBB2_14:
0x252: {  	v3 =	vld [tilespmem:s13+$0x1C17];
	v9 =	vadd.f32 v4, v9  }
0x253: {  	v4 =	vld [tilespmem:s13+$0x1816];
	v10 =	vadd.f32 v5, v10  }
0x254: {  	v5 =	vld [tilespmem:s13+$0x1415];
	v6 =	vadd.f32 v6, v11  }
0x255: {  	v11 =	vld [tilespmem:s13+$0x1014];
	v7 =	vadd.f32 v7, v9  }
0x256: {  	v9 =	vld [tilespmem:s13+$0xC13];
	v8 =	vadd.f32 v8, v10;
	[tilespmem:s7+$0xFFFFFFF0] =	vst v6  }
0x257: {  	v6 =	vld [tilespmem:s13+$0x812];
	[tilespmem:s8+$0xFFFFFFF0] =	vst v7  }
0x258: {  	v7 =	vld [tilespmem:s13+$0x411];
	[tilespmem:s9+$0xFFFFFFF0] =	vst v8  }
0x259: {  	v8 =	vld [tilespmem:s13+$0x10]  }
0x25a: {  	v10 =	vld [tilespmem:s13+$0xFFFFFC0F]  }
0x25b: {  	v12 =	vld [tilespmem:s13+$0xFFFFF80E]  }
0x25c: {  	v13 =	vld [tilespmem:s13+$0xFFFFF40D]  }
0x25d: {  	v14 =	vld [tilespmem:s13+$0xFFFFF00C]  }
0x25e: {  	v15 =	vld [tilespmem:s13+$0xFFFFEC0B]  }
0x25f: {  	v16 =	vld [tilespmem:s13+$0xFFFFE80A]  }
0x260: {  	v17 =	vld [tilespmem:s13+$0xFFFFE409]  }
0x261: {  	s10 =	sadd.s32 $0x20, s10;
	v18 =	vld [tilespmem:s13+$0xFFFFE008]  }
0x262: {  	s11 =	sadd.s32 $0x20, s11;
	v19 =	vld [tilespmem:s10+$0xFFFFE008]  }
0x263: {  	s12 =	sadd.s32 $0x2, s12;
	v20 =	vld [tilespmem:s11+$0xFFFFE008]  }
0x264: {  	p1 =	slt.u32 s12, $0x3E;
	v21 =	vld [tilespmem:s10+$0xFFFFE409]  }
0x265: {  	v22 =	vld [tilespmem:s11+$0xFFFFE409]  }
0x266: {  	v18 =	vadd.f32 $0.0e+00, v18;
	v23 =	vld [tilespmem:s10+$0xFFFFE80A]  }
0x267: {  	v19 =	vadd.f32 $0.0e+00, v19;
	v24 =	vld [tilespmem:s11+$0xFFFFE80A]  }
0x268: {  	v20 =	vadd.f32 $0.0e+00, v20;
	v17 =	vadd.f32 v17, v18;
	v18 =	vld [tilespmem:s10+$0xFFFFEC0B]  }
0x269: {  	v19 =	vadd.f32 v21, v19;
	v21 =	vld [tilespmem:s11+$0xFFFFEC0B]  }
0x26a: {  	v20 =	vadd.f32 v22, v20;
	v16 =	vadd.f32 v16, v17;
	v17 =	vld [tilespmem:s10+$0xFFFFF00C]  }
0x26b: {  	v19 =	vadd.f32 v23, v19;
	v22 =	vld [tilespmem:s11+$0xFFFFF00C]  }
0x26c: {  	v20 =	vadd.f32 v24, v20;
	v15 =	vadd.f32 v15, v16;
	v16 =	vld [tilespmem:s10+$0xFFFFF40D]  }
0x26d: {  	v18 =	vadd.f32 v18, v19;
	v19 =	vld [tilespmem:s11+$0xFFFFF40D]  }
0x26e: {  	v20 =	vadd.f32 v21, v20;
	v14 =	vadd.f32 v14, v15;
	v15 =	vld [tilespmem:s10+$0xFFFFF80E]  }
0x26f: {  	v17 =	vadd.f32 v17, v18;
	v18 =	vld [tilespmem:s11+$0xFFFFF80E]  }
0x270: {  	v20 =	vadd.f32 v22, v20;
	v13 =	vadd.f32 v13, v14;
	v14 =	vld [tilespmem:s10+$0xFFFFFC0F]  }
0x271: {  	v16 =	vadd.f32 v16, v17;
	v17 =	vld [tilespmem:s11+$0xFFFFFC0F]  }
0x272: {  	v19 =	vadd.f32 v19, v20;
	v12 =	vadd.f32 v12, v13;
	v13 =	vld [tilespmem:s10+$0x10]  }
0x273: {  	v15 =	vadd.f32 v15, v16;
	v16 =	vld [tilespmem:s11+$0x10]  }
0x274: {  	v18 =	vadd.f32 v18, v19;
	v10 =	vadd.f32 v10, v12;
	v12 =	vld [tilespmem:s10+$0x411]  }
0x275: {  	v14 =	vadd.f32 v14, v15;
	v15 =	vld [tilespmem:s11+$0x411]  }
0x276: {  	v17 =	vadd.f32 v17, v18;
	v8 =	vadd.f32 v8, v10;
	v10 =	vld [tilespmem:s10+$0x812]  }
0x277: {  	v13 =	vadd.f32 v13, v14;
	v14 =	vld [tilespmem:s11+$0x812]  }
0x278: {  	v16 =	vadd.f32 v16, v17;
	v7 =	vadd.f32 v7, v8;
	v8 =	vld [tilespmem:s10+$0xC13]  }
0x279: {  	v12 =	vadd.f32 v12, v13;
	v13 =	vld [tilespmem:s11+$0xC13]  }
0x27a: {  	v15 =	vadd.f32 v15, v16;
	v6 =	vadd.f32 v6, v7;
	v7 =	vld [tilespmem:s10+$0x1014]  }
0x27b: {  	v10 =	vadd.f32 v10, v12;
	v12 =	vld [tilespmem:s11+$0x1014]  }
0x27c: {  	v14 =	vadd.f32 v14, v15;
	v6 =	vadd.f32 v9, v6;
	v9 =	vld [tilespmem:s10+$0x1415]  }
0x27d: {  	v8 =	vadd.f32 v8, v10;
	v10 =	vld [tilespmem:s11+$0x1415]  }
0x27e: {  	v13 =	vadd.f32 v13, v14;
	v6 =	vadd.f32 v11, v6;
	v11 =	vld [tilespmem:s10+$0x1816]  }
0x27f: {  	v7 =	vadd.f32 v7, v8;
	v8 =	vld [tilespmem:s11+$0x1816]  }
0x280: {  	v12 =	vadd.f32 v12, v13;
	v5 =	vadd.f32 v5, v6;
	v6 =	vld [tilespmem:s10+$0x1C17]  }
0x281: {  	v7 =	vadd.f32 v9, v7;
	v9 =	vld [tilespmem:s11+$0x1C17]  }
0x282: {  	v13 =	vld [tilespmem:s10+$0xFFFFDFF8];
	v10 =	vadd.f32 v10, v12;
	v4 =	vadd.f32 v4, v5  }
0x283: {  	v5 =	vld [tilespmem:s11+$0xFFFFDFF8];
	v7 =	vadd.f32 v11, v7  }
0x284: {  	v11 =	vld [tilespmem:s13+$0xFFFFDFF8];
	v8 =	vadd.f32 v8, v10;
	v3 =	vadd.f32 v3, v4  }
0x285: {  	s7 =	sadd.s32 $0x20, s7;
	v4 =	vld [tilespmem:s13+$0xFFFFE3F9];
	v6 =	vadd.f32 v6, v7  }
0x286: {  	s8 =	sadd.s32 $0x20, s8;
	v7 =	vld [tilespmem:s10+$0xFFFFE3F9];
	v8 =	vadd.f32 v9, v8;
	[tilespmem:s7+$0x0] =	vst v3  }
0x287: {  	s9 =	sadd.s32 $0x20, s9;
	v3 =	vadd.f32 $0.0e+00, v13;
	v9 =	vld [tilespmem:s11+$0xFFFFE3F9];
	[tilespmem:s8+$0x0] =	vst v6  }
0x288: {  	v5 =	vadd.f32 $0.0e+00, v5;
	v6 =	vld [tilespmem:s13+$0xFFFFE7FA];
	[tilespmem:s9+$0x0] =	vst v8  }
0x289: {  	v8 =	vadd.f32 $0.0e+00, v11;
	v10 =	vld [tilespmem:s10+$0xFFFFE7FA]  }
0x28a: {  	v11 =	vld [tilespmem:s11+$0xFFFFE7FA]  }
0x28b: {  	v4 =	vadd.f32 v4, v8;
	v3 =	vadd.f32 v7, v3;
	v7 =	vld [tilespmem:s13+$0xFFFFEBFB]  }
0x28c: {  	v5 =	vadd.f32 v9, v5;
	v8 =	vld [tilespmem:s10+$0xFFFFEBFB]  }
0x28d: {  	v4 =	vadd.f32 v6, v4;
	v6 =	vld [tilespmem:s11+$0xFFFFEBFB]  }
0x28e: {  	v3 =	vadd.f32 v10, v3;
	v9 =	vld [tilespmem:s13+$0xFFFFEFFC]  }
0x28f: {  	v5 =	vadd.f32 v11, v5;
	v10 =	vld [tilespmem:s10+$0xFFFFEFFC]  }
0x290: {  	v4 =	vadd.f32 v7, v4;
	v7 =	vld [tilespmem:s11+$0xFFFFEFFC]  }
0x291: {  	v3 =	vadd.f32 v8, v3;
	v8 =	vld [tilespmem:s13+$0xFFFFF3FD]  }
0x292: {  	v5 =	vadd.f32 v6, v5;
	v6 =	vld [tilespmem:s10+$0xFFFFF3FD]  }
0x293: {  	v4 =	vadd.f32 v9, v4;
	v9 =	vld [tilespmem:s11+$0xFFFFF3FD]  }
0x294: {  	v3 =	vadd.f32 v10, v3;
	v10 =	vld [tilespmem:s13+$0xFFFFF7FE]  }
0x295: {  	v5 =	vadd.f32 v7, v5;
	v7 =	vld [tilespmem:s10+$0xFFFFF7FE]  }
0x296: {  	v4 =	vadd.f32 v8, v4;
	v8 =	vld [tilespmem:s11+$0xFFFFF7FE]  }
0x297: {  	v3 =	vadd.f32 v6, v3;
	v6 =	vld [tilespmem:s13+$0xFFFFFBFF]  }
0x298: {  	v5 =	vadd.f32 v9, v5;
	v9 =	vld [tilespmem:s10+$0xFFFFFBFF]  }
0x299: {  	v4 =	vadd.f32 v10, v4;
	v10 =	vld [tilespmem:s11+$0xFFFFFBFF]  }
0x29a: {  	v3 =	vadd.f32 v7, v3;
	v7 =	vld [tilespmem:s13+$0x0]  }
0x29b: {  	v5 =	vadd.f32 v8, v5;
	v8 =	vld [tilespmem:s10+$0x0]  }
0x29c: {  	v4 =	vadd.f32 v6, v4;
	v6 =	vld [tilespmem:s11+$0x0]  }
0x29d: {  	v3 =	vadd.f32 v9, v3;
	v9 =	vld [tilespmem:s13+$0x401]  }
0x29e: {  	v5 =	vadd.f32 v10, v5;
	v10 =	vld [tilespmem:s10+$0x401]  }
0x29f: {  	v4 =	vadd.f32 v7, v4;
	v7 =	vld [tilespmem:s11+$0x401]  }
0x2a0: {  	v3 =	vadd.f32 v8, v3;
	v8 =	vld [tilespmem:s13+$0x802]  }
0x2a1: {  	v5 =	vadd.f32 v6, v5;
	v6 =	vld [tilespmem:s10+$0x802]  }
0x2a2: {  	v4 =	vadd.f32 v9, v4;
	v9 =	vld [tilespmem:s11+$0x802]  }
0x2a3: {  	v3 =	vadd.f32 v10, v3;
	v10 =	vld [tilespmem:s13+$0xC03]  }
0x2a4: {  	v5 =	vadd.f32 v7, v5;
	v7 =	vld [tilespmem:s10+$0xC03]  }
0x2a5: {  	v4 =	vadd.f32 v8, v4;
	v8 =	vld [tilespmem:s11+$0xC03]  }
0x2a6: {  	v3 =	vadd.f32 v6, v3;
	v6 =	vld [tilespmem:s13+$0x1004]  }
0x2a7: {  	v5 =	vadd.f32 v9, v5;
	v9 =	vld [tilespmem:s10+$0x1004]  }
0x2a8: {  	v4 =	vadd.f32 v10, v4;
	v10 =	vld [tilespmem:s11+$0x1004]  }
0x2a9: {  	v3 =	vadd.f32 v7, v3;
	v7 =	vld [tilespmem:s13+$0x1405]  }
0x2aa: {  	v5 =	vadd.f32 v8, v5;
	v8 =	vld [tilespmem:s10+$0x1405]  }
0x2ab: {  	v6 =	vadd.f32 v6, v4;
	v11 =	vld [tilespmem:s11+$0x1405]  }
0x2ac: {  	v3 =	vadd.f32 v9, v3;
	v12 =	vld [tilespmem:s13+$0x1806]  }
.Ltmp7:
0x2ad: {  	v10 =	vadd.f32 v10, v5;
	v4 =	vld [tilespmem:s10+$0x1806];
	(pc) =	sbr.rel @p1 .LBB2_14-.Ltmp7, $4  }
0x2ae: {  	v13 =	vadd.f32 v7, v6;
	v5 =	vld [tilespmem:s11+$0x1806]  }
0x2af: {  	v9 =	vadd.f32 v8, v3;
	v6 =	vld [tilespmem:s13+$0x1C07]  }
0x2b0: {  	v10 =	vadd.f32 v11, v10;
	v7 =	vld [tilespmem:s10+$0x1C07]  }
0x2b1: {  	s13 =	sadd.s32 $0x20, s13;
	v11 =	vadd.f32 v12, v13;
	v8 =	vld [tilespmem:s11+$0x1C07]  }
0x2b2: {  	_ = 	snop  }
0x2b3: {  	v3 =	vadd.f32 v4, v9  }
0x2b4: {  	v62 =	vadd.f32 v5, v10;
	v63 =	vadd.f32 v6, v11  }
0x2b5: {  	v3 =	vadd.f32 v7, v3  }
0x2b6: {  	v4 =	vadd.f32 v8, v62;
	[tilespmem:s7+$0xFFFFFFF0] =	vst v63  }
0x2b7: {  	[tilespmem:s8+$0xFFFFFFF0] =	vst v3  }
0x2b8: {  	s11 =	simm.s32 $0x1C780;
	[tilespmem:s9+$0xFFFFFFF0] =	vst v4  }
0x2b9: {  	[hbm4b:s18+s24] =	stream.strided.scatter [tilespmem:s11], [sflag:$0x4], $0x400, s29, s24, $0x38;
	[tilespmem:$0x1D380] =	vst v63  }
0x2ba: {  	_ =	swait.ge [sflag:s30], $0x400  }
0x2bb: {  	[sflag:s30] =	ssyncset.done $0x0  }
0x2bc: {  	s12 =	simm.s32 $0x1CB80;
	[sflag:s30] =	ssyncadd.s32 $0xFFFFFC00  }
0x2bd: {  	[hbm4b:s19+s24] =	stream.strided.scatter [tilespmem:s12], [sflag:$0x4], $0x400, s29, s24, $0x38;
	[tilespmem:$0x1D380] =	vst v63  }
0x2be: {  	s6 =	sadd.s32 $0x1, s6;
	_ =	swait.ge [sflag:s30], $0x400  }
0x2bf: {  	p1 =	sne.s32 s6, s21;
	[sflag:s30] =	ssyncset.done $0x0  }
.Ltmp8:
0x2c0: {  	s13 =	simm.s32 $0x1CF80;
	[sflag:s30] =	ssyncadd.s32 $0xFFFFFC00;
	(pc) =	sbr.rel @p1 .LBB2_1-.Ltmp8, $4  }
0x2c1: {  	[hbm4b:s20+s24] =	stream.strided.scatter [tilespmem:s13], [sflag:$0x4], $0x400, s29, s24, $0x38;
	[tilespmem:$0x1D380] =	vst v63  }
0x2c2: {  	_ =	swait.ge [sflag:s30], $0x400  }
0x2c3: {  	[sflag:s30] =	ssyncset.done $0x0  }
0x2c4: {  	[sflag:s30] =	ssyncadd.s32 $0xFFFFFC00  }
0x2c5: {  	_ =	sfence.sel $0x180000  }
0x2c6: {  	[bflag:$0x0] =	sbarrier.arrive $0xFFFF  }
0x2c7: {  	_ =	strace $0x90000047  }
0x2c8: {  	s0 =	stileid.u32;
	[bflag:$0x2] =	sbarrier.arrive $0xFFFF  }
0x2c9: {  	p0 =	sne.s32 s0, $0x0;
	s0 =	rddreg [dreg:$0x5]  }
0x2ca: {  	s0 =	sadd.s32 @!p0 $0x100000, s0  }
0x2cb: {  	[sflag:s0] =	ssyncadd.tile.s32 @!p0 $0x1;
	_ =	shalt  }
.Lfunc_end2:
_tile_overlayer_lowered:
.L_overlay_start_2:
0x2cc: {  	(tag) =	ssettag $0x2  }
0x2cd: {  	s0 =	rddreg [dreg:$0x0];
	s2 =	stileid.u32  }
0x2ce: {  	s1 =	rddreg [dreg:$0x1];
	p0 =	sne.s32 s2, $0x0  }
0x2cf: {  	s3 =	rddreg [dreg:$0x2];
	[bflag:$0x3] =	sbarrier.arrive $0xFFFF;
	s2 =	simm.s32 @!p0 $0x1C04  }
0x2d0: {  	[timem:s3], [sflag:s2] =	dma.local @!p0 [hbm:s0], s1  }
0x2d1: {  	s0 =	simm.s32 @!p0 $0x4  }
0x2d2: {  	_ =	swait.ge @!p0 [sflag:s0], s1  }
0x2d3: {  	s1 =	ssub.s32 @!p0 $0x0, s1;
	[sflag:s0] =	ssyncset.done @!p0 $0x0  }
0x2d4: {  	[sflag:s0] =	ssyncadd.s32 @!p0 s1  }
0x2d5: {  	[bflag:$0x3] =	sbarrier.arrive $0xFFFF  }
0x2d6: {  	_ =	shalt  }

</sc_bundles>
